<compile_context>
chip_gen: v7x
topology: tpu7x:2x2x1
jax: 0.10.2.dev20260603
libtpu: 0.0.44.dev20260713+nightly
codegen_flags: <defaults>
</compile_context>

<pallas_src>
import functools

import jax
import jax.numpy as jnp
from jax import lax
from jax.experimental import pallas as pl
from jax.experimental.pallas import tpu as pltpu
from jax.experimental.pallas import tpu_sc as plsc

N_NODES = 10000
N_EDGES = 320000
D_FEAT = 128
D_HID = 64
D_OUT = 40
D_OUT_PAD = 48

NC, NS = 2, 16
NW = NC * NS
EPW = N_EDGES // NW
BLK = 128
NB = 79
EPW_PAD = NB * BLK
CHUNKS = EPW // 16
DEG_P = EPW_PAD
ACC_ROWS = 10240
RPT = ACC_ROWS // NS
DUMMY = N_NODES
RB = 1000


def _sc_mesh():
    return plsc.VectorSubcoreMesh(
        core_axis_name="c", subcore_axis_name="s", num_cores=NC, num_subcores=NS
    )


@functools.partial(
    pl.kernel,
    out_type=jax.ShapeDtypeStruct((NW, 2 * DEG_P), jnp.float32),
    mesh=_sc_mesh(),
    scratch_types=[
        pltpu.VMEM((NB, BLK), jnp.int32),
        pltpu.VMEM((NB, BLK), jnp.int32),
        pltpu.VMEM((2 * DEG_P,), jnp.float32),
    ],
    compiler_params=pltpu.CompilerParams(needs_layout_passes=False),
)
def _deg_kernel(srcp, dstp, out, srcv, dstv, acc):
    c = lax.axis_index("c")
    s = lax.axis_index("s")
    wid = c * NS + s
    pltpu.sync_copy(srcp.at[wid], srcv)
    pltpu.sync_copy(dstp.at[wid], dstv)
    zeros = jnp.zeros((16,), jnp.float32)

    def zbody(i, carry):
        acc[pl.ds(i * 16, 16)] = zeros
        return carry

    lax.fori_loop(0, 2 * DEG_P // 16, zbody, None)

    ones = jnp.ones((16,), jnp.float32)

    def hbody(i, carry):
        r = i >> 3
        col = (i & 7) * 16
        plsc.addupdate_scatter(acc, [srcv[r, pl.ds(col, 16)]], ones)
        plsc.addupdate_scatter(acc, [dstv[r, pl.ds(col, 16)] + DEG_P], ones)
        return carry

    lax.fori_loop(0, CHUNKS, hbody, None)
    pltpu.sync_copy(acc, out.at[wid])


def _make_agg(d):
    @functools.partial(
        pl.kernel,
        out_type=jax.ShapeDtypeStruct((NC, ACC_ROWS, d), jnp.float32),
        mesh=_sc_mesh(),
        scratch_types=[
            pltpu.VMEM((NB, BLK), jnp.int32),
            pltpu.VMEM((NB, BLK), jnp.int32),
            pltpu.VMEM((2, BLK, d), jnp.float32),
            pltpu.VMEM_SHARED((ACC_ROWS, d), jnp.float32),
            pltpu.SemaphoreType.DMA,
            pltpu.SemaphoreType.DMA,
        ],
        compiler_params=pltpu.CompilerParams(
            needs_layout_passes=False, use_tc_tiling_on_sc=False
        ),
    )
    def agg(h, srcp, dstp, out, srcv, dstv, gbuf, acc, sem0, sem1):
        c = lax.axis_index("c")
        s = lax.axis_index("s")
        wid = c * NS + s
        pltpu.sync_copy(srcp.at[wid], srcv)
        pltpu.sync_copy(dstp.at[wid], dstv)

        zeros = jnp.zeros((16,), jnp.float32)

        def zbody(r, carry):
            for k in range(d // 16):
                gbuf[0, r, pl.ds(k * 16, 16)] = zeros
            return carry

        lax.fori_loop(0, BLK, zbody, None)
        base = s * RPT
        for k in range(RPT // BLK):
            pltpu.sync_copy(gbuf.at[0], acc.at[pl.ds(base + k * BLK, BLK)])
        plsc.subcore_barrier()

        pltpu.async_copy(h.at[srcv.at[0]], gbuf.at[0], sem0)

        def step(i, carry):
            j0 = 2 * i
            j1 = 2 * i + 1
            j2 = 2 * i + 2

            @pl.when(j1 < NB)
            def _start1():
                pltpu.async_copy(h.at[srcv.at[j1]], gbuf.at[1], sem1)

            pltpu.make_async_copy(h.at[srcv.at[j0]], gbuf.at[0], sem0).wait()
            pltpu.sync_copy(gbuf.at[0], acc.at[dstv.at[j0]], add=True)

            @pl.when(j2 < NB)
            def _start2():
                pltpu.async_copy(h.at[srcv.at[j2]], gbuf.at[0], sem0)

            @pl.when(j1 < NB)
            def _drain1():
                pltpu.make_async_copy(h.at[srcv.at[j1]], gbuf.at[1], sem1).wait()
                pltpu.sync_copy(gbuf.at[1], acc.at[dstv.at[j1]], add=True)

            return carry

        lax.fori_loop(0, (NB + 1) // 2, step, None)
        plsc.subcore_barrier()
        pltpu.sync_copy(acc.at[pl.ds(base, RPT)], out.at[c, pl.ds(base, RPT)])

    return agg


_agg_hid = _make_agg(D_HID)
_agg_out = _make_agg(D_OUT_PAD)


def _matmul(x, w):
    n, kdim = x.shape
    dout = w.shape[1]

    def body(x_ref, w_ref, out_ref):
        out_ref[...] = jnp.dot(
            x_ref[...],
            w_ref[...],
            precision=lax.Precision.HIGHEST,
            preferred_element_type=jnp.float32,
        )

    return pl.pallas_call(
        body,
        grid=(n // RB,),
        out_shape=jax.ShapeDtypeStruct((n, dout), jnp.float32),
        in_specs=[
            pl.BlockSpec((RB, kdim), lambda i: (i, 0)),
            pl.BlockSpec((kdim, dout), lambda i: (0, 0)),
        ],
        out_specs=pl.BlockSpec((RB, dout), lambda i: (i, 0)),
    )(x, w)


def _norm_scale(deg_part, h1):

    def body(dp_ref, h_ref, nm_ref, out_ref):
        deg = jnp.sum(dp_ref[...], axis=0)
        nmt = jnp.transpose(lax.rsqrt(jnp.maximum(deg, 1.0)))
        nm_ref[...] = nmt
        out_ref[...] = h_ref[...] * nmt[:N_NODES, 0:1]

    return pl.pallas_call(
        body,
        out_shape=(
            jax.ShapeDtypeStruct((DEG_P, 2), jnp.float32),
            jax.ShapeDtypeStruct((N_NODES, D_HID), jnp.float32),
        ),
        in_specs=[
            pl.BlockSpec((NW, 2, DEG_P), lambda: (0, 0, 0)),
            pl.BlockSpec((N_NODES, D_HID), lambda: (0, 0)),
        ],
        out_specs=(
            pl.BlockSpec((DEG_P, 2), lambda: (0, 0)),
            pl.BlockSpec((N_NODES, D_HID), lambda: (0, 0)),
        ),
    )(deg_part, h1)


def _mid_layer(agg, nm, b1, w2p):
    def body(a_ref, nm_ref, b_ref, w_ref, out_ref):
        t = a_ref[0] + a_ref[1]
        t = jnp.maximum(t * nm_ref[:, 1:2] + b_ref[...], 0.0)
        out_ref[...] = jnp.dot(
            t * nm_ref[:, 0:1],
            w_ref[...],
            precision=lax.Precision.HIGHEST,
            preferred_element_type=jnp.float32,
        )

    return pl.pallas_call(
        body,
        grid=(N_NODES // RB,),
        out_shape=jax.ShapeDtypeStruct((N_NODES, D_OUT_PAD), jnp.float32),
        in_specs=[
            pl.BlockSpec((NC, RB, D_HID), lambda i: (0, i, 0)),
            pl.BlockSpec((RB, 2), lambda i: (i, 0)),
            pl.BlockSpec((1, D_HID), lambda i: (0, 0)),
            pl.BlockSpec((D_HID, D_OUT_PAD), lambda i: (0, 0)),
        ],
        out_specs=pl.BlockSpec((RB, D_OUT_PAD), lambda i: (i, 0)),
    )(agg, nm, b1, w2p)


def _final_layer(agg, nm, b2):
    def body(a_ref, nm_ref, b_ref, out_ref):
        t = a_ref[0] + a_ref[1]
        out_ref[...] = t[:, :D_OUT] * nm_ref[:, 1:2] + b_ref[...]

    return pl.pallas_call(
        body,
        grid=(N_NODES // RB,),
        out_shape=jax.ShapeDtypeStruct((N_NODES, D_OUT), jnp.float32),
        in_specs=[
            pl.BlockSpec((NC, RB, D_OUT_PAD), lambda i: (0, i, 0)),
            pl.BlockSpec((RB, 2), lambda i: (i, 0)),
            pl.BlockSpec((1, D_OUT), lambda i: (0, 0)),
        ],
        out_specs=pl.BlockSpec((RB, D_OUT), lambda i: (i, 0)),
    )(agg, nm, b2)


def kernel(data, feats, W1, b1, W2, b2):
    data32 = data.astype(jnp.int32)
    src = data32[0]
    dst = data32[1]
    srcp = jnp.pad(
        src.reshape(NW, EPW), ((0, 0), (0, EPW_PAD - EPW))
    ).reshape(NW, NB, BLK)
    dstp = jnp.concatenate(
        [
            dst.reshape(NW, EPW),
            jnp.broadcast_to(
                DUMMY + jnp.arange(NW, dtype=jnp.int32)[:, None],
                (NW, EPW_PAD - EPW),
            ),
        ],
        axis=1,
    ).reshape(NW, NB, BLK)

    deg_part = _deg_kernel(srcp, dstp).reshape(NW, 2, DEG_P)
    h1 = _matmul(feats, W1)
    nm, h1s = _norm_scale(deg_part, h1)
    agg1 = _agg_hid(h1s, srcp, dstp)
    w2p = jnp.pad(W2, ((0, 0), (0, D_OUT_PAD - D_OUT)))
    h2 = _mid_layer(agg1, nm, b1.reshape(1, -1), w2p)
    agg2 = _agg_out(h2, srcp, dstp)
    return _final_layer(agg2, nm, b2.reshape(1, -1))

# --- scband reference (transcript-rebuilt; emitter-appended) ---
"""Pipeline reference for scband-model-51573967290855 (READ-ONLY COPY).

The authoritative reference and input builder live on the scoring server;
editing this copy changes nothing except your own understanding.
"""

import jax, jax.numpy as jnp
import numpy as np

N_NODES = 10000
N_EDGES = 320000
D_FEAT = 128
D_HID = 64
D_OUT = 40


def setup_inputs(seed: int = 0) -> dict:
    key = jax.random.key(seed)
    k1, k2, k3, k4, k5, k6 = jax.random.split(key, 6)
    feats = jax.random.normal(k1, (N_NODES, D_FEAT), dtype=jnp.float32)
    data = jax.random.randint(k2, (2, N_EDGES), 0, N_NODES, dtype=jnp.int64)
    # GraphConv weights (glorot-uniform style) and zero biases, per DGL defaults
    lim1 = float(np.sqrt(6.0 / (D_FEAT + D_HID)))
    lim2 = float(np.sqrt(6.0 / (D_HID + D_OUT)))
    W1 = jax.random.uniform(k3, (D_FEAT, D_HID), minval=-lim1, maxval=lim1, dtype=jnp.float32)
    b1 = jnp.zeros((D_HID,), dtype=jnp.float32)
    W2 = jax.random.uniform(k4, (D_HID, D_OUT), minval=-lim2, maxval=lim2, dtype=jnp.float32)
    b2 = jnp.zeros((D_OUT,), dtype=jnp.float32)
    return {"data": data, "feats": feats, "W1": W1, "b1": b1, "W2": W2, "b2": b2}


def _gcn_layer(x, W, b, src, dst, n_nodes):
    # DGL GraphConv with norm='both': D_out^{-1/2} on src side, sum-aggregate, D_in^{-1/2} on dst side
    e = src.shape[0]
    ones = jnp.ones((e,), dtype=x.dtype)
    deg_out = jax.ops.segment_sum(ones, src, num_segments=n_nodes)
    deg_in = jax.ops.segment_sum(ones, dst, num_segments=n_nodes)
    norm_out = jnp.power(jnp.clip(deg_out, 1.0, None), -0.5)
    norm_in = jnp.power(jnp.clip(deg_in, 1.0, None), -0.5)
    h = x * norm_out[:, None]
    h = h @ W  # apply weight before aggregation (math-equivalent, DGL does this when in>out)
    msg = jnp.take(h, src, axis=0)
    agg = jax.ops.segment_sum(msg, dst, num_segments=n_nodes)
    agg = agg * norm_in[:, None]
    return agg + b


def reference(data, feats, W1, b1, W2, b2):
    src = data[0]
    dst = data[1]
    # GCN encoder, num_layers=2, dropout=0 (identity)
    h = _gcn_layer(feats, W1, b1, src, dst, N_NODES)
    h = jax.nn.relu(h)
    h = _gcn_layer(h, W2, b2, src, dst, N_NODES)
    return h

if __name__ == "__main__":
    import jax
    _d = setup_inputs()
    print(jax.jit(kernel)(*tuple(_d.values())))

</pallas_src>

<mosaic_0001>
#map = affine_map<(d0, d1) -> (0, 0)>
#map1 = affine_map<(d0, d1) -> (0, 0, 0)>
module attributes {stable_mosaic.version = 14 : i64} {
  func.func @agg(%arg0: i32, %arg1: i32, %arg2: memref<10000x64xf32, #tpu.memory_space<hbm>>, %arg3: memref<32x79x128xi32, #tpu.memory_space<hbm>>, %arg4: memref<32x79x128xi32, #tpu.memory_space<hbm>>, %arg5: memref<2x10240x64xf32, #tpu.memory_space<hbm>>, %arg6: memref<79x128xi32, #tpu.memory_space<vmem>>, %arg7: memref<79x128xi32, #tpu.memory_space<vmem>>, %arg8: memref<2x128x64xf32, #tpu.memory_space<vmem>>, %arg9: memref<10240x64xf32, #tpu.memory_space<vmem_shared>>, %arg10: memref<!tpu.dma_semaphore, #tpu.memory_space<semaphore_mem>>, %arg11: memref<!tpu.dma_semaphore, #tpu.memory_space<semaphore_mem>>) attributes {dimension_semantics = [#tpu.dimension_semantics<core_parallel>, #tpu.dimension_semantics<subcore_parallel>], iteration_bounds = array<i64: 2, 16>, scalar_prefetch = 0 : i64, scratch_operands = 6 : i64, tpu.core_type = #tpu.core_type<sc_vector_subcore>, window_params = [{transform_indices = #map}, {transform_indices = #map1}, {transform_indices = #map1}, {transform_indices = #map1}]} {
    %mul3A = arith.constant 16 : i32
    %mul3A_0 = arith.muli %arg0, %mul3A : i32
    %add3A = arith.addi %mul3A_0, %arg1 : i32
    "tpu.region"() ({
      %run_scoped3A_39 = tpu.sem_alloc : memref<!tpu.dma_semaphore, #tpu.memory_space<semaphore_mem>>
      %dma_start3A_40 = arith.constant 0 : i32
      %dma_start3A_41 = arith.constant 0 : i32
      %dma_start3A_42 = tpu.memref_slice %arg3[%add3A, %dma_start3A_40, %dma_start3A_41] : memref<32x79x128xi32, #tpu.memory_space<hbm>> -> memref<1x79x128xi32, #tpu.memory_space<hbm>>
      %dma_start3A_43 = tpu.memref_squeeze %dma_start3A_42 : memref<1x79x128xi32, #tpu.memory_space<hbm>> -> memref<79x128xi32, #tpu.memory_space<hbm>>
      %dma_start3A_44 = arith.constant 0 : i32
      %dma_start3A_45 = arith.constant 0 : i32
      %dma_start3A_46 = tpu.memref_slice %arg3[%add3A, %dma_start3A_44, %dma_start3A_45] : memref<32x79x128xi32, #tpu.memory_space<hbm>> -> memref<1x79x128xi32, #tpu.memory_space<hbm>>
      %dma_start3A_47 = tpu.memref_squeeze %dma_start3A_46 : memref<1x79x128xi32, #tpu.memory_space<hbm>> -> memref<79x128xi32, #tpu.memory_space<hbm>>
      tpu.enqueue_dma source(%dma_start3A_47 : memref<79x128xi32, #tpu.memory_space<hbm>>) target(%arg6 : memref<79x128xi32, #tpu.memory_space<vmem>>) target_semaphore(%run_scoped3A_39 : memref<!tpu.dma_semaphore, #tpu.memory_space<semaphore_mem>>)
      %dma_wait3A = arith.constant 0 : i32
      %dma_wait3A_48 = arith.constant 0 : i32
      %dma_wait3A_49 = tpu.memref_slice %arg3[%add3A, %dma_wait3A, %dma_wait3A_48] : memref<32x79x128xi32, #tpu.memory_space<hbm>> -> memref<1x79x128xi32, #tpu.memory_space<hbm>>
      %dma_wait3A_50 = tpu.memref_squeeze %dma_wait3A_49 : memref<1x79x128xi32, #tpu.memory_space<hbm>> -> memref<79x128xi32, #tpu.memory_space<hbm>>
      %dma_wait3A_51 = arith.constant 0 : i32
      %dma_wait3A_52 = arith.constant 0 : i32
      %dma_wait3A_53 = tpu.memref_slice %arg3[%add3A, %dma_wait3A_51, %dma_wait3A_52] : memref<32x79x128xi32, #tpu.memory_space<hbm>> -> memref<1x79x128xi32, #tpu.memory_space<hbm>>
      %dma_wait3A_54 = tpu.memref_squeeze %dma_wait3A_53 : memref<1x79x128xi32, #tpu.memory_space<hbm>> -> memref<79x128xi32, #tpu.memory_space<hbm>>
      tpu.wait_dma2 semaphore(%run_scoped3A_39 : memref<!tpu.dma_semaphore, #tpu.memory_space<semaphore_mem>>) src(%dma_wait3A_54 : memref<79x128xi32, #tpu.memory_space<hbm>>) dst(%arg6 : memref<79x128xi32, #tpu.memory_space<vmem>>)
      tpu.yield
    }) : () -> ()
    "tpu.region"() ({
      %run_scoped3A_39 = tpu.sem_alloc : memref<!tpu.dma_semaphore, #tpu.memory_space<semaphore_mem>>
      %dma_start3A_40 = arith.constant 0 : i32
      %dma_start3A_41 = arith.constant 0 : i32
      %dma_start3A_42 = tpu.memref_slice %arg4[%add3A, %dma_start3A_40, %dma_start3A_41] : memref<32x79x128xi32, #tpu.memory_space<hbm>> -> memref<1x79x128xi32, #tpu.memory_space<hbm>>
      %dma_start3A_43 = tpu.memref_squeeze %dma_start3A_42 : memref<1x79x128xi32, #tpu.memory_space<hbm>> -> memref<79x128xi32, #tpu.memory_space<hbm>>
      %dma_start3A_44 = arith.constant 0 : i32
      %dma_start3A_45 = arith.constant 0 : i32
      %dma_start3A_46 = tpu.memref_slice %arg4[%add3A, %dma_start3A_44, %dma_start3A_45] : memref<32x79x128xi32, #tpu.memory_space<hbm>> -> memref<1x79x128xi32, #tpu.memory_space<hbm>>
      %dma_start3A_47 = tpu.memref_squeeze %dma_start3A_46 : memref<1x79x128xi32, #tpu.memory_space<hbm>> -> memref<79x128xi32, #tpu.memory_space<hbm>>
      tpu.enqueue_dma source(%dma_start3A_47 : memref<79x128xi32, #tpu.memory_space<hbm>>) target(%arg7 : memref<79x128xi32, #tpu.memory_space<vmem>>) target_semaphore(%run_scoped3A_39 : memref<!tpu.dma_semaphore, #tpu.memory_space<semaphore_mem>>)
      %dma_wait3A = arith.constant 0 : i32
      %dma_wait3A_48 = arith.constant 0 : i32
      %dma_wait3A_49 = tpu.memref_slice %arg4[%add3A, %dma_wait3A, %dma_wait3A_48] : memref<32x79x128xi32, #tpu.memory_space<hbm>> -> memref<1x79x128xi32, #tpu.memory_space<hbm>>
      %dma_wait3A_50 = tpu.memref_squeeze %dma_wait3A_49 : memref<1x79x128xi32, #tpu.memory_space<hbm>> -> memref<79x128xi32, #tpu.memory_space<hbm>>
      %dma_wait3A_51 = arith.constant 0 : i32
      %dma_wait3A_52 = arith.constant 0 : i32
      %dma_wait3A_53 = tpu.memref_slice %arg4[%add3A, %dma_wait3A_51, %dma_wait3A_52] : memref<32x79x128xi32, #tpu.memory_space<hbm>> -> memref<1x79x128xi32, #tpu.memory_space<hbm>>
      %dma_wait3A_54 = tpu.memref_squeeze %dma_wait3A_53 : memref<1x79x128xi32, #tpu.memory_space<hbm>> -> memref<79x128xi32, #tpu.memory_space<hbm>>
      tpu.wait_dma2 semaphore(%run_scoped3A_39 : memref<!tpu.dma_semaphore, #tpu.memory_space<semaphore_mem>>) src(%dma_wait3A_54 : memref<79x128xi32, #tpu.memory_space<hbm>>) dst(%arg7 : memref<79x128xi32, #tpu.memory_space<vmem>>)
      tpu.yield
    }) : () -> ()
    %broadcast_in_dim3A = arith.constant 0.000000e+00 : f32
    %broadcast_in_dim3A_1 = vector.broadcast %broadcast_in_dim3A : f32 to vector<16xf32>
    %scan3A = arith.constant 0 : i32
    %scan3A_2 = arith.constant 128 : i32
    %scan3A_3 = arith.addi %scan3A, %scan3A_2 : i32
    %scan3A_4 = arith.constant 1 : i32
    scf.for %scan3A_39 = %scan3A to %scan3A_3 step %scan3A_4  : i32 {
      %swap3A = arith.constant 0 : i32
      %swap3A_40 = arith.index_cast %swap3A : i32 to index
      %swap3A_41 = arith.index_cast %scan3A_39 : i32 to index
      %swap3A_42 = arith.constant 0 : index
      %swap3A_43 = tpu.vector_load %arg8[%swap3A_40, %swap3A_41, %swap3A_42] {strides = array<i32>} : memref<2x128x64xf32, #tpu.memory_space<vmem>>, vector<16xf32>,
      tpu.vector_store %arg8[%swap3A_40, %swap3A_41, %swap3A_42], %broadcast_in_dim3A_1 {strides = array<i32>} : memref<2x128x64xf32, #tpu.memory_space<vmem>>, vector<16xf32>,
      %swap3A_44 = arith.constant 0 : i32
      %swap3A_45 = arith.index_cast %swap3A_44 : i32 to index
      %swap3A_46 = arith.index_cast %scan3A_39 : i32 to index
      %swap3A_47 = arith.constant 16 : index
      %swap3A_48 = tpu.vector_load %arg8[%swap3A_45, %swap3A_46, %swap3A_47] {strides = array<i32>} : memref<2x128x64xf32, #tpu.memory_space<vmem>>, vector<16xf32>,
      tpu.vector_store %arg8[%swap3A_45, %swap3A_46, %swap3A_47], %broadcast_in_dim3A_1 {strides = array<i32>} : memref<2x128x64xf32, #tpu.memory_space<vmem>>, vector<16xf32>,
      %swap3A_49 = arith.constant 0 : i32
      %swap3A_50 = arith.index_cast %swap3A_49 : i32 to index
      %swap3A_51 = arith.index_cast %scan3A_39 : i32 to index
      %swap3A_52 = arith.constant 32 : index
      %swap3A_53 = tpu.vector_load %arg8[%swap3A_50, %swap3A_51, %swap3A_52] {strides = array<i32>} : memref<2x128x64xf32, #tpu.memory_space<vmem>>, vector<16xf32>,
      tpu.vector_store %arg8[%swap3A_50, %swap3A_51, %swap3A_52], %broadcast_in_dim3A_1 {strides = array<i32>} : memref<2x128x64xf32, #tpu.memory_space<vmem>>, vector<16xf32>,
      %swap3A_54 = arith.constant 0 : i32
      %swap3A_55 = arith.index_cast %swap3A_54 : i32 to index
      %swap3A_56 = arith.index_cast %scan3A_39 : i32 to index
      %swap3A_57 = arith.constant 48 : index
      %swap3A_58 = tpu.vector_load %arg8[%swap3A_55, %swap3A_56, %swap3A_57] {strides = array<i32>} : memref<2x128x64xf32, #tpu.memory_space<vmem>>, vector<16xf32>,
      tpu.vector_store %arg8[%swap3A_55, %swap3A_56, %swap3A_57], %broadcast_in_dim3A_1 {strides = array<i32>} : memref<2x128x64xf32, #tpu.memory_space<vmem>>, vector<16xf32>,
    }
    %scan3A_5 = arith.constant 128 : i32
    %mul3A_6 = arith.constant 640 : i32
    %mul3A_7 = arith.muli %arg1, %mul3A_6 : i32
    %add3A_8 = arith.constant 0 : i32
    %add3A_9 = arith.addi %mul3A_7, %add3A_8 : i32
    %run_scoped3A = arith.constant 0 : i32
    "tpu.region"() ({
      %run_scoped3A_39 = tpu.sem_alloc : memref<!tpu.dma_semaphore, #tpu.memory_space<semaphore_mem>>
      %dma_start3A_40 = arith.constant 0 : i32
      %dma_start3A_41 = arith.constant 0 : i32
      %dma_start3A_42 = tpu.memref_slice %arg8[%run_scoped3A, %dma_start3A_40, %dma_start3A_41] : memref<2x128x64xf32, #tpu.memory_space<vmem>> -> memref<1x128x64xf32, #tpu.memory_space<vmem>>
      %dma_start3A_43 = tpu.memref_squeeze %dma_start3A_42 : memref<1x128x64xf32, #tpu.memory_space<vmem>> -> memref<128x64xf32, #tpu.memory_space<vmem>>
      %dma_start3A_44 = arith.constant 0 : i32
      %dma_start3A_45 = tpu.memref_slice %arg9[%add3A_9, %dma_start3A_44] : memref<10240x64xf32, #tpu.memory_space<vmem_shared>> -> memref<128x64xf32, #tpu.memory_space<vmem_shared>>
      %dma_start3A_46 = arith.constant 0 : i32
      %dma_start3A_47 = tpu.memref_slice %arg9[%add3A_9, %dma_start3A_46] : memref<10240x64xf32, #tpu.memory_space<vmem_shared>> -> memref<128x64xf32, #tpu.memory_space<vmem_shared>>
      %dma_start3A_48 = arith.constant 0 : i32
      %dma_start3A_49 = arith.constant 0 : i32
      %dma_start3A_50 = tpu.memref_slice %arg8[%run_scoped3A, %dma_start3A_48, %dma_start3A_49] : memref<2x128x64xf32, #tpu.memory_space<vmem>> -> memref<1x128x64xf32, #tpu.memory_space<vmem>>
      %dma_start3A_51 = tpu.memref_squeeze %dma_start3A_50 : memref<1x128x64xf32, #tpu.memory_space<vmem>> -> memref<128x64xf32, #tpu.memory_space<vmem>>
      tpu.enqueue_dma source(%dma_start3A_51 : memref<128x64xf32, #tpu.memory_space<vmem>>) target(%dma_start3A_47 : memref<128x64xf32, #tpu.memory_space<vmem_shared>>) target_semaphore(%run_scoped3A_39 : memref<!tpu.dma_semaphore, #tpu.memory_space<semaphore_mem>>)
      %dma_wait3A = arith.constant 0 : i32
      %dma_wait3A_52 = arith.constant 0 : i32
      %dma_wait3A_53 = tpu.memref_slice %arg8[%run_scoped3A, %dma_wait3A, %dma_wait3A_52] : memref<2x128x64xf32, #tpu.memory_space<vmem>> -> memref<1x128x64xf32, #tpu.memory_space<vmem>>
      %dma_wait3A_54 = tpu.memref_squeeze %dma_wait3A_53 : memref<1x128x64xf32, #tpu.memory_space<vmem>> -> memref<128x64xf32, #tpu.memory_space<vmem>>
      %dma_wait3A_55 = arith.constant 0 : i32
      %dma_wait3A_56 = tpu.memref_slice %arg9[%add3A_9, %dma_wait3A_55] : memref<10240x64xf32, #tpu.memory_space<vmem_shared>> -> memref<128x64xf32, #tpu.memory_space<vmem_shared>>
      %dma_wait3A_57 = arith.constant 0 : i32
      %dma_wait3A_58 = tpu.memref_slice %arg9[%add3A_9, %dma_wait3A_57] : memref<10240x64xf32, #tpu.memory_space<vmem_shared>> -> memref<128x64xf32, #tpu.memory_space<vmem_shared>>
      %dma_wait3A_59 = arith.constant 0 : i32
      %dma_wait3A_60 = arith.constant 0 : i32
      %dma_wait3A_61 = tpu.memref_slice %arg8[%run_scoped3A, %dma_wait3A_59, %dma_wait3A_60] : memref<2x128x64xf32, #tpu.memory_space<vmem>> -> memref<1x128x64xf32, #tpu.memory_space<vmem>>
      %dma_wait3A_62 = tpu.memref_squeeze %dma_wait3A_61 : memref<1x128x64xf32, #tpu.memory_space<vmem>> -> memref<128x64xf32, #tpu.memory_space<vmem>>
      tpu.wait_dma2 semaphore(%run_scoped3A_39 : memref<!tpu.dma_semaphore, #tpu.memory_space<semaphore_mem>>) src(%dma_wait3A_62 : memref<128x64xf32, #tpu.memory_space<vmem>>) dst(%dma_wait3A_58 : memref<128x64xf32, #tpu.memory_space<vmem_shared>>)
      tpu.yield
    }) : () -> ()
    %add3A_10 = arith.constant 128 : i32
    %add3A_11 = arith.addi %mul3A_7, %add3A_10 : i32
    %run_scoped3A_12 = arith.constant 0 : i32
    "tpu.region"() ({
      %run_scoped3A_39 = tpu.sem_alloc : memref<!tpu.dma_semaphore, #tpu.memory_space<semaphore_mem>>
      %dma_start3A_40 = arith.constant 0 : i32
      %dma_start3A_41 = arith.constant 0 : i32
      %dma_start3A_42 = tpu.memref_slice %arg8[%run_scoped3A_12, %dma_start3A_40, %dma_start3A_41] : memref<2x128x64xf32, #tpu.memory_space<vmem>> -> memref<1x128x64xf32, #tpu.memory_space<vmem>>
      %dma_start3A_43 = tpu.memref_squeeze %dma_start3A_42 : memref<1x128x64xf32, #tpu.memory_space<vmem>> -> memref<128x64xf32, #tpu.memory_space<vmem>>
      %dma_start3A_44 = arith.constant 0 : i32
      %dma_start3A_45 = tpu.memref_slice %arg9[%add3A_11, %dma_start3A_44] : memref<10240x64xf32, #tpu.memory_space<vmem_shared>> -> memref<128x64xf32, #tpu.memory_space<vmem_shared>>
      %dma_start3A_46 = arith.constant 0 : i32
      %dma_start3A_47 = tpu.memref_slice %arg9[%add3A_11, %dma_start3A_46] : memref<10240x64xf32, #tpu.memory_space<vmem_shared>> -> memref<128x64xf32, #tpu.memory_space<vmem_shared>>
      %dma_start3A_48 = arith.constant 0 : i32
      %dma_start3A_49 = arith.constant 0 : i32
      %dma_start3A_50 = tpu.memref_slice %arg8[%run_scoped3A_12, %dma_start3A_48, %dma_start3A_49] : memref<2x128x64xf32, #tpu.memory_space<vmem>> -> memref<1x128x64xf32, #tpu.memory_space<vmem>>
      %dma_start3A_51 = tpu.memref_squeeze %dma_start3A_50 : memref<1x128x64xf32, #tpu.memory_space<vmem>> -> memref<128x64xf32, #tpu.memory_space<vmem>>
      tpu.enqueue_dma source(%dma_start3A_51 : memref<128x64xf32, #tpu.memory_space<vmem>>) target(%dma_start3A_47 : memref<128x64xf32, #tpu.memory_space<vmem_shared>>) target_semaphore(%run_scoped3A_39 : memref<!tpu.dma_semaphore, #tpu.memory_space<semaphore_mem>>)
      %dma_wait3A = arith.constant 0 : i32
      %dma_wait3A_52 = arith.constant 0 : i32
      %dma_wait3A_53 = tpu.memref_slice %arg8[%run_scoped3A_12, %dma_wait3A, %dma_wait3A_52] : memref<2x128x64xf32, #tpu.memory_space<vmem>> -> memref<1x128x64xf32, #tpu.memory_space<vmem>>
      %dma_wait3A_54 = tpu.memref_squeeze %dma_wait3A_53 : memref<1x128x64xf32, #tpu.memory_space<vmem>> -> memref<128x64xf32, #tpu.memory_space<vmem>>
      %dma_wait3A_55 = arith.constant 0 : i32
      %dma_wait3A_56 = tpu.memref_slice %arg9[%add3A_11, %dma_wait3A_55] : memref<10240x64xf32, #tpu.memory_space<vmem_shared>> -> memref<128x64xf32, #tpu.memory_space<vmem_shared>>
      %dma_wait3A_57 = arith.constant 0 : i32
      %dma_wait3A_58 = tpu.memref_slice %arg9[%add3A_11, %dma_wait3A_57] : memref<10240x64xf32, #tpu.memory_space<vmem_shared>> -> memref<128x64xf32, #tpu.memory_space<vmem_shared>>
      %dma_wait3A_59 = arith.constant 0 : i32
      %dma_wait3A_60 = arith.constant 0 : i32
      %dma_wait3A_61 = tpu.memref_slice %arg8[%run_scoped3A_12, %dma_wait3A_59, %dma_wait3A_60] : memref<2x128x64xf32, #tpu.memory_space<vmem>> -> memref<1x128x64xf32, #tpu.memory_space<vmem>>
      %dma_wait3A_62 = tpu.memref_squeeze %dma_wait3A_61 : memref<1x128x64xf32, #tpu.memory_space<vmem>> -> memref<128x64xf32, #tpu.memory_space<vmem>>
      tpu.wait_dma2 semaphore(%run_scoped3A_39 : memref<!tpu.dma_semaphore, #tpu.memory_space<semaphore_mem>>) src(%dma_wait3A_62 : memref<128x64xf32, #tpu.memory_space<vmem>>) dst(%dma_wait3A_58 : memref<128x64xf32, #tpu.memory_space<vmem_shared>>)
      tpu.yield
    }) : () -> ()
    %add3A_13 = arith.constant 256 : i32
    %add3A_14 = arith.addi %mul3A_7, %add3A_13 : i32
    %run_scoped3A_15 = arith.constant 0 : i32
    "tpu.region"() ({
      %run_scoped3A_39 = tpu.sem_alloc : memref<!tpu.dma_semaphore, #tpu.memory_space<semaphore_mem>>
      %dma_start3A_40 = arith.constant 0 : i32
      %dma_start3A_41 = arith.constant 0 : i32
      %dma_start3A_42 = tpu.memref_slice %arg8[%run_scoped3A_15, %dma_start3A_40, %dma_start3A_41] : memref<2x128x64xf32, #tpu.memory_space<vmem>> -> memref<1x128x64xf32, #tpu.memory_space<vmem>>
      %dma_start3A_43 = tpu.memref_squeeze %dma_start3A_42 : memref<1x128x64xf32, #tpu.memory_space<vmem>> -> memref<128x64xf32, #tpu.memory_space<vmem>>
      %dma_start3A_44 = arith.constant 0 : i32
      %dma_start3A_45 = tpu.memref_slice %arg9[%add3A_14, %dma_start3A_44] : memref<10240x64xf32, #tpu.memory_space<vmem_shared>> -> memref<128x64xf32, #tpu.memory_space<vmem_shared>>
      %dma_start3A_46 = arith.constant 0 : i32
      %dma_start3A_47 = tpu.memref_slice %arg9[%add3A_14, %dma_start3A_46] : memref<10240x64xf32, #tpu.memory_space<vmem_shared>> -> memref<128x64xf32, #tpu.memory_space<vmem_shared>>
      %dma_start3A_48 = arith.constant 0 : i32
      %dma_start3A_49 = arith.constant 0 : i32
      %dma_start3A_50 = tpu.memref_slice %arg8[%run_scoped3A_15, %dma_start3A_48, %dma_start3A_49] : memref<2x128x64xf32, #tpu.memory_space<vmem>> -> memref<1x128x64xf32, #tpu.memory_space<vmem>>
      %dma_start3A_51 = tpu.memref_squeeze %dma_start3A_50 : memref<1x128x64xf32, #tpu.memory_space<vmem>> -> memref<128x64xf32, #tpu.memory_space<vmem>>
      tpu.enqueue_dma source(%dma_start3A_51 : memref<128x64xf32, #tpu.memory_space<vmem>>) target(%dma_start3A_47 : memref<128x64xf32, #tpu.memory_space<vmem_shared>>) target_semaphore(%run_scoped3A_39 : memref<!tpu.dma_semaphore, #tpu.memory_space<semaphore_mem>>)
      %dma_wait3A = arith.constant 0 : i32
      %dma_wait3A_52 = arith.constant 0 : i32
      %dma_wait3A_53 = tpu.memref_slice %arg8[%run_scoped3A_15, %dma_wait3A, %dma_wait3A_52] : memref<2x128x64xf32, #tpu.memory_space<vmem>> -> memref<1x128x64xf32, #tpu.memory_space<vmem>>
      %dma_wait3A_54 = tpu.memref_squeeze %dma_wait3A_53 : memref<1x128x64xf32, #tpu.memory_space<vmem>> -> memref<128x64xf32, #tpu.memory_space<vmem>>
      %dma_wait3A_55 = arith.constant 0 : i32
      %dma_wait3A_56 = tpu.memref_slice %arg9[%add3A_14, %dma_wait3A_55] : memref<10240x64xf32, #tpu.memory_space<vmem_shared>> -> memref<128x64xf32, #tpu.memory_space<vmem_shared>>
      %dma_wait3A_57 = arith.constant 0 : i32
      %dma_wait3A_58 = tpu.memref_slice %arg9[%add3A_14, %dma_wait3A_57] : memref<10240x64xf32, #tpu.memory_space<vmem_shared>> -> memref<128x64xf32, #tpu.memory_space<vmem_shared>>
      %dma_wait3A_59 = arith.constant 0 : i32
      %dma_wait3A_60 = arith.constant 0 : i32
      %dma_wait3A_61 = tpu.memref_slice %arg8[%run_scoped3A_15, %dma_wait3A_59, %dma_wait3A_60] : memref<2x128x64xf32, #tpu.memory_space<vmem>> -> memref<1x128x64xf32, #tpu.memory_space<vmem>>
      %dma_wait3A_62 = tpu.memref_squeeze %dma_wait3A_61 : memref<1x128x64xf32, #tpu.memory_space<vmem>> -> memref<128x64xf32, #tpu.memory_space<vmem>>
      tpu.wait_dma2 semaphore(%run_scoped3A_39 : memref<!tpu.dma_semaphore, #tpu.memory_space<semaphore_mem>>) src(%dma_wait3A_62 : memref<128x64xf32, #tpu.memory_space<vmem>>) dst(%dma_wait3A_58 : memref<128x64xf32, #tpu.memory_space<vmem_shared>>)
      tpu.yield
    }) : () -> ()
    %add3A_16 = arith.constant 384 : i32
    %add3A_17 = arith.addi %mul3A_7, %add3A_16 : i32
    %run_scoped3A_18 = arith.constant 0 : i32
    "tpu.region"() ({
      %run_scoped3A_39 = tpu.sem_alloc : memref<!tpu.dma_semaphore, #tpu.memory_space<semaphore_mem>>
      %dma_start3A_40 = arith.constant 0 : i32
      %dma_start3A_41 = arith.constant 0 : i32
      %dma_start3A_42 = tpu.memref_slice %arg8[%run_scoped3A_18, %dma_start3A_40, %dma_start3A_41] : memref<2x128x64xf32, #tpu.memory_space<vmem>> -> memref<1x128x64xf32, #tpu.memory_space<vmem>>
      %dma_start3A_43 = tpu.memref_squeeze %dma_start3A_42 : memref<1x128x64xf32, #tpu.memory_space<vmem>> -> memref<128x64xf32, #tpu.memory_space<vmem>>
      %dma_start3A_44 = arith.constant 0 : i32
      %dma_start3A_45 = tpu.memref_slice %arg9[%add3A_17, %dma_start3A_44] : memref<10240x64xf32, #tpu.memory_space<vmem_shared>> -> memref<128x64xf32, #tpu.memory_space<vmem_shared>>
      %dma_start3A_46 = arith.constant 0 : i32
      %dma_start3A_47 = tpu.memref_slice %arg9[%add3A_17, %dma_start3A_46] : memref<10240x64xf32, #tpu.memory_space<vmem_shared>> -> memref<128x64xf32, #tpu.memory_space<vmem_shared>>
      %dma_start3A_48 = arith.constant 0 : i32
      %dma_start3A_49 = arith.constant 0 : i32
      %dma_start3A_50 = tpu.memref_slice %arg8[%run_scoped3A_18, %dma_start3A_48, %dma_start3A_49] : memref<2x128x64xf32, #tpu.memory_space<vmem>> -> memref<1x128x64xf32, #tpu.memory_space<vmem>>
      %dma_start3A_51 = tpu.memref_squeeze %dma_start3A_50 : memref<1x128x64xf32, #tpu.memory_space<vmem>> -> memref<128x64xf32, #tpu.memory_space<vmem>>
      tpu.enqueue_dma source(%dma_start3A_51 : memref<128x64xf32, #tpu.memory_space<vmem>>) target(%dma_start3A_47 : memref<128x64xf32, #tpu.memory_space<vmem_shared>>) target_semaphore(%run_scoped3A_39 : memref<!tpu.dma_semaphore, #tpu.memory_space<semaphore_mem>>)
      %dma_wait3A = arith.constant 0 : i32
      %dma_wait3A_52 = arith.constant 0 : i32
      %dma_wait3A_53 = tpu.memref_slice %arg8[%run_scoped3A_18, %dma_wait3A, %dma_wait3A_52] : memref<2x128x64xf32, #tpu.memory_space<vmem>> -> memref<1x128x64xf32, #tpu.memory_space<vmem>>
      %dma_wait3A_54 = tpu.memref_squeeze %dma_wait3A_53 : memref<1x128x64xf32, #tpu.memory_space<vmem>> -> memref<128x64xf32, #tpu.memory_space<vmem>>
      %dma_wait3A_55 = arith.constant 0 : i32
      %dma_wait3A_56 = tpu.memref_slice %arg9[%add3A_17, %dma_wait3A_55] : memref<10240x64xf32, #tpu.memory_space<vmem_shared>> -> memref<128x64xf32, #tpu.memory_space<vmem_shared>>
      %dma_wait3A_57 = arith.constant 0 : i32
      %dma_wait3A_58 = tpu.memref_slice %arg9[%add3A_17, %dma_wait3A_57] : memref<10240x64xf32, #tpu.memory_space<vmem_shared>> -> memref<128x64xf32, #tpu.memory_space<vmem_shared>>
      %dma_wait3A_59 = arith.constant 0 : i32
      %dma_wait3A_60 = arith.constant 0 : i32
      %dma_wait3A_61 = tpu.memref_slice %arg8[%run_scoped3A_18, %dma_wait3A_59, %dma_wait3A_60] : memref<2x128x64xf32, #tpu.memory_space<vmem>> -> memref<1x128x64xf32, #tpu.memory_space<vmem>>
      %dma_wait3A_62 = tpu.memref_squeeze %dma_wait3A_61 : memref<1x128x64xf32, #tpu.memory_space<vmem>> -> memref<128x64xf32, #tpu.memory_space<vmem>>
      tpu.wait_dma2 semaphore(%run_scoped3A_39 : memref<!tpu.dma_semaphore, #tpu.memory_space<semaphore_mem>>) src(%dma_wait3A_62 : memref<128x64xf32, #tpu.memory_space<vmem>>) dst(%dma_wait3A_58 : memref<128x64xf32, #tpu.memory_space<vmem_shared>>)
      tpu.yield
    }) : () -> ()
    %add3A_19 = arith.constant 512 : i32
    %add3A_20 = arith.addi %mul3A_7, %add3A_19 : i32
    %run_scoped3A_21 = arith.constant 0 : i32
    "tpu.region"() ({
      %run_scoped3A_39 = tpu.sem_alloc : memref<!tpu.dma_semaphore, #tpu.memory_space<semaphore_mem>>
      %dma_start3A_40 = arith.constant 0 : i32
      %dma_start3A_41 = arith.constant 0 : i32
      %dma_start3A_42 = tpu.memref_slice %arg8[%run_scoped3A_21, %dma_start3A_40, %dma_start3A_41] : memref<2x128x64xf32, #tpu.memory_space<vmem>> -> memref<1x128x64xf32, #tpu.memory_space<vmem>>
      %dma_start3A_43 = tpu.memref_squeeze %dma_start3A_42 : memref<1x128x64xf32, #tpu.memory_space<vmem>> -> memref<128x64xf32, #tpu.memory_space<vmem>>
      %dma_start3A_44 = arith.constant 0 : i32
      %dma_start3A_45 = tpu.memref_slice %arg9[%add3A_20, %dma_start3A_44] : memref<10240x64xf32, #tpu.memory_space<vmem_shared>> -> memref<128x64xf32, #tpu.memory_space<vmem_shared>>
      %dma_start3A_46 = arith.constant 0 : i32
      %dma_start3A_47 = tpu.memref_slice %arg9[%add3A_20, %dma_start3A_46] : memref<10240x64xf32, #tpu.memory_space<vmem_shared>> -> memref<128x64xf32, #tpu.memory_space<vmem_shared>>
      %dma_start3A_48 = arith.constant 0 : i32
      %dma_start3A_49 = arith.constant 0 : i32
      %dma_start3A_50 = tpu.memref_slice %arg8[%run_scoped3A_21, %dma_start3A_48, %dma_start3A_49] : memref<2x128x64xf32, #tpu.memory_space<vmem>> -> memref<1x128x64xf32, #tpu.memory_space<vmem>>
      %dma_start3A_51 = tpu.memref_squeeze %dma_start3A_50 : memref<1x128x64xf32, #tpu.memory_space<vmem>> -> memref<128x64xf32, #tpu.memory_space<vmem>>
      tpu.enqueue_dma source(%dma_start3A_51 : memref<128x64xf32, #tpu.memory_space<vmem>>) target(%dma_start3A_47 : memref<128x64xf32, #tpu.memory_space<vmem_shared>>) target_semaphore(%run_scoped3A_39 : memref<!tpu.dma_semaphore, #tpu.memory_space<semaphore_mem>>)
      %dma_wait3A = arith.constant 0 : i32
      %dma_wait3A_52 = arith.constant 0 : i32
      %dma_wait3A_53 = tpu.memref_slice %arg8[%run_scoped3A_21, %dma_wait3A, %dma_wait3A_52] : memref<2x128x64xf32, #tpu.memory_space<vmem>> -> memref<1x128x64xf32, #tpu.memory_space<vmem>>
      %dma_wait3A_54 = tpu.memref_squeeze %dma_wait3A_53 : memref<1x128x64xf32, #tpu.memory_space<vmem>> -> memref<128x64xf32, #tpu.memory_space<vmem>>
      %dma_wait3A_55 = arith.constant 0 : i32
      %dma_wait3A_56 = tpu.memref_slice %arg9[%add3A_20, %dma_wait3A_55] : memref<10240x64xf32, #tpu.memory_space<vmem_shared>> -> memref<128x64xf32, #tpu.memory_space<vmem_shared>>
      %dma_wait3A_57 = arith.constant 0 : i32
      %dma_wait3A_58 = tpu.memref_slice %arg9[%add3A_20, %dma_wait3A_57] : memref<10240x64xf32, #tpu.memory_space<vmem_shared>> -> memref<128x64xf32, #tpu.memory_space<vmem_shared>>
      %dma_wait3A_59 = arith.constant 0 : i32
      %dma_wait3A_60 = arith.constant 0 : i32
      %dma_wait3A_61 = tpu.memref_slice %arg8[%run_scoped3A_21, %dma_wait3A_59, %dma_wait3A_60] : memref<2x128x64xf32, #tpu.memory_space<vmem>> -> memref<1x128x64xf32, #tpu.memory_space<vmem>>
      %dma_wait3A_62 = tpu.memref_squeeze %dma_wait3A_61 : memref<1x128x64xf32, #tpu.memory_space<vmem>> -> memref<128x64xf32, #tpu.memory_space<vmem>>
      tpu.wait_dma2 semaphore(%run_scoped3A_39 : memref<!tpu.dma_semaphore, #tpu.memory_space<semaphore_mem>>) src(%dma_wait3A_62 : memref<128x64xf32, #tpu.memory_space<vmem>>) dst(%dma_wait3A_58 : memref<128x64xf32, #tpu.memory_space<vmem_shared>>)
      tpu.yield
    }) : () -> ()
    %barrier3A = arith.constant 0 : index
    tpu.barrier barrier_id(%barrier3A)
    %dma_start3A = arith.constant 0 : i32
    %dma_start3A_22 = arith.constant 0 : i32
    %dma_start3A_23 = arith.constant 0 : i32
    %dma_start3A_24 = arith.constant 0 : i32
    %dma_start3A_25 = tpu.memref_slice %arg8[%dma_start3A_22, %dma_start3A_23, %dma_start3A_24] : memref<2x128x64xf32, #tpu.memory_space<vmem>> -> memref<1x128x64xf32, #tpu.memory_space<vmem>>
    %dma_start3A_26 = tpu.memref_squeeze %dma_start3A_25 : memref<1x128x64xf32, #tpu.memory_space<vmem>> -> memref<128x64xf32, #tpu.memory_space<vmem>>
    %dma_start3A_27 = arith.constant 0 : i32
    %dma_start3A_28 = tpu.memref_slice %arg6[%dma_start3A, %dma_start3A_27] : memref<79x128xi32, #tpu.memory_space<vmem>> -> memref<1x128xi32, #tpu.memory_space<vmem>>
    %dma_start3A_29 = tpu.memref_squeeze %dma_start3A_28 : memref<1x128xi32, #tpu.memory_space<vmem>> -> memref<128xi32, #tpu.memory_space<vmem>>
    %dma_start3A_30 = arith.constant 0 : i32
    %dma_start3A_31 = arith.constant 0 : i32
    %dma_start3A_32 = tpu.memref_slice %arg2[%dma_start3A_30, %dma_start3A_31] : memref<10000x64xf32, #tpu.memory_space<hbm>> -> memref<10000x64xf32, #tpu.memory_space<hbm>>
    tpu.enqueue_indirect_dma source(%dma_start3A_32 : memref<10000x64xf32, #tpu.memory_space<hbm>>) target(%dma_start3A_26 : memref<128x64xf32, #tpu.memory_space<vmem>>) offsets(%dma_start3A_29 : memref<128xi32, #tpu.memory_space<vmem>>) semaphore(%arg10 : memref<!tpu.dma_semaphore, #tpu.memory_space<semaphore_mem>>)
    %scan3A_33 = arith.constant 0 : i32
    %scan3A_34 = arith.constant 40 : i32
    %scan3A_35 = arith.addi %scan3A_33, %scan3A_34 : i32
    %scan3A_36 = arith.constant 1 : i32
    scf.for %scan3A_39 = %scan3A_33 to %scan3A_35 step %scan3A_36  : i32 {
      %mul3A_40 = arith.constant 2 : i32
      %mul3A_41 = arith.muli %mul3A_40, %scan3A_39 : i32
      %mul3A_42 = arith.constant 2 : i32
      %mul3A_43 = arith.muli %mul3A_42, %scan3A_39 : i32
      %add3A_44 = arith.constant 1 : i32
      %add3A_45 = arith.addi %mul3A_43, %add3A_44 : i32
      %mul3A_46 = arith.constant 2 : i32
      %mul3A_47 = arith.muli %mul3A_46, %scan3A_39 : i32
      %add3A_48 = arith.constant 2 : i32
      %add3A_49 = arith.addi %mul3A_47, %add3A_48 : i32
      %lt3A = arith.constant 79 : i32
      %lt3A_50 = arith.cmpi slt, %add3A_45, %lt3A : i32
      %convert_element_type3A = arith.extui %lt3A_50 : i1 to i32
      %cond3A = arith.constant 0 : i32
      %cond3A_51 = arith.cmpi ne, %convert_element_type3A, %cond3A : i32
      scf.if %cond3A_51 {
        %dma_start3A_73 = arith.constant 1 : i32
        %dma_start3A_74 = arith.constant 0 : i32
        %dma_start3A_75 = arith.constant 0 : i32
        %dma_start3A_76 = tpu.memref_slice %arg8[%dma_start3A_73, %dma_start3A_74, %dma_start3A_75] : memref<2x128x64xf32, #tpu.memory_space<vmem>> -> memref<1x128x64xf32, #tpu.memory_space<vmem>>
        %dma_start3A_77 = tpu.memref_squeeze %dma_start3A_76 : memref<1x128x64xf32, #tpu.memory_space<vmem>> -> memref<128x64xf32, #tpu.memory_space<vmem>>
        %dma_start3A_78 = arith.constant 0 : i32
        %dma_start3A_79 = tpu.memref_slice %arg6[%add3A_45, %dma_start3A_78] : memref<79x128xi32, #tpu.memory_space<vmem>> -> memref<1x128xi32, #tpu.memory_space<vmem>>
        %dma_start3A_80 = tpu.memref_squeeze %dma_start3A_79 : memref<1x128xi32, #tpu.memory_space<vmem>> -> memref<128xi32, #tpu.memory_space<vmem>>
        %dma_start3A_81 = arith.constant 0 : i32
        %dma_start3A_82 = arith.constant 0 : i32
        %dma_start3A_83 = tpu.memref_slice %arg2[%dma_start3A_81, %dma_start3A_82] : memref<10000x64xf32, #tpu.memory_space<hbm>> -> memref<10000x64xf32, #tpu.memory_space<hbm>>
        tpu.enqueue_indirect_dma source(%dma_start3A_83 : memref<10000x64xf32, #tpu.memory_space<hbm>>) target(%dma_start3A_77 : memref<128x64xf32, #tpu.memory_space<vmem>>) offsets(%dma_start3A_80 : memref<128xi32, #tpu.memory_space<vmem>>) semaphore(%arg11 : memref<!tpu.dma_semaphore, #tpu.memory_space<semaphore_mem>>)
      } else {
      }
      %dma_wait3A = arith.constant 0 : i32
      %dma_wait3A_52 = arith.constant 0 : i32
      %dma_wait3A_53 = arith.constant 0 : i32
      %dma_wait3A_54 = tpu.memref_slice %arg8[%dma_wait3A, %dma_wait3A_52, %dma_wait3A_53] : memref<2x128x64xf32, #tpu.memory_space<vmem>> -> memref<1x128x64xf32, #tpu.memory_space<vmem>>
      %dma_wait3A_55 = tpu.memref_squeeze %dma_wait3A_54 : memref<1x128x64xf32, #tpu.memory_space<vmem>> -> memref<128x64xf32, #tpu.memory_space<vmem>>
      %dma_wait3A_56 = arith.constant 0 : i32
      %dma_wait3A_57 = tpu.memref_slice %arg6[%mul3A_41, %dma_wait3A_56] : memref<79x128xi32, #tpu.memory_space<vmem>> -> memref<1x128xi32, #tpu.memory_space<vmem>>
      %dma_wait3A_58 = tpu.memref_squeeze %dma_wait3A_57 : memref<1x128xi32, #tpu.memory_space<vmem>> -> memref<128xi32, #tpu.memory_space<vmem>>
      %dma_wait3A_59 = arith.constant 0 : i32
      %dma_wait3A_60 = arith.constant 0 : i32
      %dma_wait3A_61 = tpu.memref_slice %arg2[%dma_wait3A_59, %dma_wait3A_60] : memref<10000x64xf32, #tpu.memory_space<hbm>> -> memref<10000x64xf32, #tpu.memory_space<hbm>>
      tpu.wait_indirect_dma semaphore(%arg10 : memref<!tpu.dma_semaphore, #tpu.memory_space<semaphore_mem>>) src(%dma_wait3A_61 : memref<10000x64xf32, #tpu.memory_space<hbm>>) dst(%dma_wait3A_55 : memref<128x64xf32, #tpu.memory_space<vmem>>)
      %run_scoped3A_62 = arith.constant 0 : i32
      "tpu.region"() ({
        %run_scoped3A_73 = tpu.sem_alloc : memref<!tpu.dma_semaphore, #tpu.memory_space<semaphore_mem>>
        %dma_start3A_74 = arith.constant 0 : i32
        %dma_start3A_75 = arith.constant 0 : i32
        %dma_start3A_76 = tpu.memref_slice %arg8[%run_scoped3A_62, %dma_start3A_74, %dma_start3A_75] : memref<2x128x64xf32, #tpu.memory_space<vmem>> -> memref<1x128x64xf32, #tpu.memory_space<vmem>>
        %dma_start3A_77 = tpu.memref_squeeze %dma_start3A_76 : memref<1x128x64xf32, #tpu.memory_space<vmem>> -> memref<128x64xf32, #tpu.memory_space<vmem>>
        %dma_start3A_78 = arith.constant 0 : i32
        %dma_start3A_79 = tpu.memref_slice %arg7[%mul3A_41, %dma_start3A_78] : memref<79x128xi32, #tpu.memory_space<vmem>> -> memref<1x128xi32, #tpu.memory_space<vmem>>
        %dma_start3A_80 = tpu.memref_squeeze %dma_start3A_79 : memref<1x128xi32, #tpu.memory_space<vmem>> -> memref<128xi32, #tpu.memory_space<vmem>>
        %dma_start3A_81 = arith.constant 0 : i32
        %dma_start3A_82 = arith.constant 0 : i32
        %dma_start3A_83 = tpu.memref_slice %arg9[%dma_start3A_81, %dma_start3A_82] : memref<10240x64xf32, #tpu.memory_space<vmem_shared>> -> memref<10240x64xf32, #tpu.memory_space<vmem_shared>>
        tpu.enqueue_indirect_dma source(%dma_start3A_77 : memref<128x64xf32, #tpu.memory_space<vmem>>) target(%dma_start3A_83 : memref<10240x64xf32, #tpu.memory_space<vmem_shared>>) offsets(%dma_start3A_80 : memref<128xi32, #tpu.memory_space<vmem>>) semaphore(%run_scoped3A_73 : memref<!tpu.dma_semaphore, #tpu.memory_space<semaphore_mem>>) {add = true}
        %dma_wait3A_84 = arith.constant 0 : i32
        %dma_wait3A_85 = arith.constant 0 : i32
        %dma_wait3A_86 = tpu.memref_slice %arg8[%run_scoped3A_62, %dma_wait3A_84, %dma_wait3A_85] : memref<2x128x64xf32, #tpu.memory_space<vmem>> -> memref<1x128x64xf32, #tpu.memory_space<vmem>>
        %dma_wait3A_87 = tpu.memref_squeeze %dma_wait3A_86 : memref<1x128x64xf32, #tpu.memory_space<vmem>> -> memref<128x64xf32, #tpu.memory_space<vmem>>
        %dma_wait3A_88 = arith.constant 0 : i32
        %dma_wait3A_89 = tpu.memref_slice %arg7[%mul3A_41, %dma_wait3A_88] : memref<79x128xi32, #tpu.memory_space<vmem>> -> memref<1x128xi32, #tpu.memory_space<vmem>>
        %dma_wait3A_90 = tpu.memref_squeeze %dma_wait3A_89 : memref<1x128xi32, #tpu.memory_space<vmem>> -> memref<128xi32, #tpu.memory_space<vmem>>
        %dma_wait3A_91 = arith.constant 0 : i32
        %dma_wait3A_92 = arith.constant 0 : i32
        %dma_wait3A_93 = tpu.memref_slice %arg9[%dma_wait3A_91, %dma_wait3A_92] : memref<10240x64xf32, #tpu.memory_space<vmem_shared>> -> memref<10240x64xf32, #tpu.memory_space<vmem_shared>>
        tpu.wait_indirect_dma semaphore(%run_scoped3A_73 : memref<!tpu.dma_semaphore, #tpu.memory_space<semaphore_mem>>) src(%dma_wait3A_87 : memref<128x64xf32, #tpu.memory_space<vmem>>) dst(%dma_wait3A_93 : memref<10240x64xf32, #tpu.memory_space<vmem_shared>>)
        tpu.yield
      }) : () -> ()
      %lt3A_63 = arith.constant 79 : i32
      %lt3A_64 = arith.cmpi slt, %add3A_49, %lt3A_63 : i32
      %convert_element_type3A_65 = arith.extui %lt3A_64 : i1 to i32
      %cond3A_66 = arith.constant 0 : i32
      %cond3A_67 = arith.cmpi ne, %convert_element_type3A_65, %cond3A_66 : i32
      scf.if %cond3A_67 {
        %dma_start3A_73 = arith.constant 0 : i32
        %dma_start3A_74 = arith.constant 0 : i32
        %dma_start3A_75 = arith.constant 0 : i32
        %dma_start3A_76 = tpu.memref_slice %arg8[%dma_start3A_73, %dma_start3A_74, %dma_start3A_75] : memref<2x128x64xf32, #tpu.memory_space<vmem>> -> memref<1x128x64xf32, #tpu.memory_space<vmem>>
        %dma_start3A_77 = tpu.memref_squeeze %dma_start3A_76 : memref<1x128x64xf32, #tpu.memory_space<vmem>> -> memref<128x64xf32, #tpu.memory_space<vmem>>
        %dma_start3A_78 = arith.constant 0 : i32
        %dma_start3A_79 = tpu.memref_slice %arg6[%add3A_49, %dma_start3A_78] : memref<79x128xi32, #tpu.memory_space<vmem>> -> memref<1x128xi32, #tpu.memory_space<vmem>>
        %dma_start3A_80 = tpu.memref_squeeze %dma_start3A_79 : memref<1x128xi32, #tpu.memory_space<vmem>> -> memref<128xi32, #tpu.memory_space<vmem>>
        %dma_start3A_81 = arith.constant 0 : i32
        %dma_start3A_82 = arith.constant 0 : i32
        %dma_start3A_83 = tpu.memref_slice %arg2[%dma_start3A_81, %dma_start3A_82] : memref<10000x64xf32, #tpu.memory_space<hbm>> -> memref<10000x64xf32, #tpu.memory_space<hbm>>
        tpu.enqueue_indirect_dma source(%dma_start3A_83 : memref<10000x64xf32, #tpu.memory_space<hbm>>) target(%dma_start3A_77 : memref<128x64xf32, #tpu.memory_space<vmem>>) offsets(%dma_start3A_80 : memref<128xi32, #tpu.memory_space<vmem>>) semaphore(%arg10 : memref<!tpu.dma_semaphore, #tpu.memory_space<semaphore_mem>>)
      } else {
      }
      %lt3A_68 = arith.constant 79 : i32
      %lt3A_69 = arith.cmpi slt, %add3A_45, %lt3A_68 : i32
      %convert_element_type3A_70 = arith.extui %lt3A_69 : i1 to i32
      %cond3A_71 = arith.constant 0 : i32
      %cond3A_72 = arith.cmpi ne, %convert_element_type3A_70, %cond3A_71 : i32
      scf.if %cond3A_72 {
        %dma_wait3A_73 = arith.constant 1 : i32
        %dma_wait3A_74 = arith.constant 0 : i32
        %dma_wait3A_75 = arith.constant 0 : i32
        %dma_wait3A_76 = tpu.memref_slice %arg8[%dma_wait3A_73, %dma_wait3A_74, %dma_wait3A_75] : memref<2x128x64xf32, #tpu.memory_space<vmem>> -> memref<1x128x64xf32, #tpu.memory_space<vmem>>
        %dma_wait3A_77 = tpu.memref_squeeze %dma_wait3A_76 : memref<1x128x64xf32, #tpu.memory_space<vmem>> -> memref<128x64xf32, #tpu.memory_space<vmem>>
        %dma_wait3A_78 = arith.constant 0 : i32
        %dma_wait3A_79 = tpu.memref_slice %arg6[%add3A_45, %dma_wait3A_78] : memref<79x128xi32, #tpu.memory_space<vmem>> -> memref<1x128xi32, #tpu.memory_space<vmem>>
        %dma_wait3A_80 = tpu.memref_squeeze %dma_wait3A_79 : memref<1x128xi32, #tpu.memory_space<vmem>> -> memref<128xi32, #tpu.memory_space<vmem>>
        %dma_wait3A_81 = arith.constant 0 : i32
        %dma_wait3A_82 = arith.constant 0 : i32
        %dma_wait3A_83 = tpu.memref_slice %arg2[%dma_wait3A_81, %dma_wait3A_82] : memref<10000x64xf32, #tpu.memory_space<hbm>> -> memref<10000x64xf32, #tpu.memory_space<hbm>>
        tpu.wait_indirect_dma semaphore(%arg11 : memref<!tpu.dma_semaphore, #tpu.memory_space<semaphore_mem>>) src(%dma_wait3A_83 : memref<10000x64xf32, #tpu.memory_space<hbm>>) dst(%dma_wait3A_77 : memref<128x64xf32, #tpu.memory_space<vmem>>)
        %run_scoped3A_84 = arith.constant 1 : i32
        "tpu.region"() ({
          %run_scoped3A_85 = tpu.sem_alloc : memref<!tpu.dma_semaphore, #tpu.memory_space<semaphore_mem>>
          %dma_start3A_86 = arith.constant 0 : i32
          %dma_start3A_87 = arith.constant 0 : i32
          %dma_start3A_88 = tpu.memref_slice %arg8[%run_scoped3A_84, %dma_start3A_86, %dma_start3A_87] : memref<2x128x64xf32, #tpu.memory_space<vmem>> -> memref<1x128x64xf32, #tpu.memory_space<vmem>>
          %dma_start3A_89 = tpu.memref_squeeze %dma_start3A_88 : memref<1x128x64xf32, #tpu.memory_space<vmem>> -> memref<128x64xf32, #tpu.memory_space<vmem>>
          %dma_start3A_90 = arith.constant 0 : i32
          %dma_start3A_91 = tpu.memref_slice %arg7[%add3A_45, %dma_start3A_90] : memref<79x128xi32, #tpu.memory_space<vmem>> -> memref<1x128xi32, #tpu.memory_space<vmem>>
          %dma_start3A_92 = tpu.memref_squeeze %dma_start3A_91 : memref<1x128xi32, #tpu.memory_space<vmem>> -> memref<128xi32, #tpu.memory_space<vmem>>
          %dma_start3A_93 = arith.constant 0 : i32
          %dma_start3A_94 = arith.constant 0 : i32
          %dma_start3A_95 = tpu.memref_slice %arg9[%dma_start3A_93, %dma_start3A_94] : memref<10240x64xf32, #tpu.memory_space<vmem_shared>> -> memref<10240x64xf32, #tpu.memory_space<vmem_shared>>
          tpu.enqueue_indirect_dma source(%dma_start3A_89 : memref<128x64xf32, #tpu.memory_space<vmem>>) target(%dma_start3A_95 : memref<10240x64xf32, #tpu.memory_space<vmem_shared>>) offsets(%dma_start3A_92 : memref<128xi32, #tpu.memory_space<vmem>>) semaphore(%run_scoped3A_85 : memref<!tpu.dma_semaphore, #tpu.memory_space<semaphore_mem>>) {add = true}
          %dma_wait3A_96 = arith.constant 0 : i32
          %dma_wait3A_97 = arith.constant 0 : i32
          %dma_wait3A_98 = tpu.memref_slice %arg8[%run_scoped3A_84, %dma_wait3A_96, %dma_wait3A_97] : memref<2x128x64xf32, #tpu.memory_space<vmem>> -> memref<1x128x64xf32, #tpu.memory_space<vmem>>
          %dma_wait3A_99 = tpu.memref_squeeze %dma_wait3A_98 : memref<1x128x64xf32, #tpu.memory_space<vmem>> -> memref<128x64xf32, #tpu.memory_space<vmem>>
          %dma_wait3A_100 = arith.constant 0 : i32
          %dma_wait3A_101 = tpu.memref_slice %arg7[%add3A_45, %dma_wait3A_100] : memref<79x128xi32, #tpu.memory_space<vmem>> -> memref<1x128xi32, #tpu.memory_space<vmem>>
          %dma_wait3A_102 = tpu.memref_squeeze %dma_wait3A_101 : memref<1x128xi32, #tpu.memory_space<vmem>> -> memref<128xi32, #tpu.memory_space<vmem>>
          %dma_wait3A_103 = arith.constant 0 : i32
          %dma_wait3A_104 = arith.constant 0 : i32
          %dma_wait3A_105 = tpu.memref_slice %arg9[%dma_wait3A_103, %dma_wait3A_104] : memref<10240x64xf32, #tpu.memory_space<vmem_shared>> -> memref<10240x64xf32, #tpu.memory_space<vmem_shared>>
          tpu.wait_indirect_dma semaphore(%run_scoped3A_85 : memref<!tpu.dma_semaphore, #tpu.memory_space<semaphore_mem>>) src(%dma_wait3A_99 : memref<128x64xf32, #tpu.memory_space<vmem>>) dst(%dma_wait3A_105 : memref<10240x64xf32, #tpu.memory_space<vmem_shared>>)
          tpu.yield
        }) : () -> ()
      } else {
      }
    }
    %scan3A_37 = arith.constant 40 : i32
    %barrier3A_38 = arith.constant 0 : index
    tpu.barrier barrier_id(%barrier3A_38)
    "tpu.region"() ({
      %run_scoped3A_39 = tpu.sem_alloc : memref<!tpu.dma_semaphore, #tpu.memory_space<semaphore_mem>>
      %dma_start3A_40 = arith.constant 0 : i32
      %dma_start3A_41 = tpu.memref_slice %arg5[%arg0, %mul3A_7, %dma_start3A_40] : memref<2x10240x64xf32, #tpu.memory_space<hbm>> -> memref<1x640x64xf32, #tpu.memory_space<hbm>>
      %dma_start3A_42 = tpu.memref_squeeze %dma_start3A_41 : memref<1x640x64xf32, #tpu.memory_space<hbm>> -> memref<640x64xf32, #tpu.memory_space<hbm>>
      %dma_start3A_43 = arith.constant 0 : i32
      %dma_start3A_44 = tpu.memref_slice %arg9[%mul3A_7, %dma_start3A_43] : memref<10240x64xf32, #tpu.memory_space<vmem_shared>> -> memref<640x64xf32, #tpu.memory_space<vmem_shared>>
      tpu.enqueue_dma source(%dma_start3A_44 : memref<640x64xf32, #tpu.memory_space<vmem_shared>>) target(%dma_start3A_42 : memref<640x64xf32, #tpu.memory_space<hbm>>) target_semaphore(%run_scoped3A_39 : memref<!tpu.dma_semaphore, #tpu.memory_space<semaphore_mem>>)
      %dma_wait3A = arith.constant 0 : i32
      %dma_wait3A_45 = tpu.memref_slice %arg5[%arg0, %mul3A_7, %dma_wait3A] : memref<2x10240x64xf32, #tpu.memory_space<hbm>> -> memref<1x640x64xf32, #tpu.memory_space<hbm>>
      %dma_wait3A_46 = tpu.memref_squeeze %dma_wait3A_45 : memref<1x640x64xf32, #tpu.memory_space<hbm>> -> memref<640x64xf32, #tpu.memory_space<hbm>>
      %dma_wait3A_47 = arith.constant 0 : i32
      %dma_wait3A_48 = tpu.memref_slice %arg9[%mul3A_7, %dma_wait3A_47] : memref<10240x64xf32, #tpu.memory_space<vmem_shared>> -> memref<640x64xf32, #tpu.memory_space<vmem_shared>>
      tpu.wait_dma2 semaphore(%run_scoped3A_39 : memref<!tpu.dma_semaphore, #tpu.memory_space<semaphore_mem>>) src(%dma_wait3A_48 : memref<640x64xf32, #tpu.memory_space<vmem_shared>>) dst(%dma_wait3A_46 : memref<640x64xf32, #tpu.memory_space<hbm>>)
      tpu.yield
    }) : () -> ()
    return
  }
}

#map = affine_map<(d0, d1) -> (0, 0, 0)>
#map1 = affine_map<(d0, d1) -> (0, 0)>
module attributes {stable_mosaic.version = 14 : i64} {
  func.func @_deg_kernel(%arg0: i32, %arg1: i32, %arg2: memref<32x79x128xi32, #tpu.memory_space<hbm>>, %arg3: memref<32x79x128xi32, #tpu.memory_space<hbm>>, %arg4: memref<32x20224xf32, #tpu.memory_space<hbm>>, %arg5: memref<79x128xi32, #tpu.memory_space<vmem>>, %arg6: memref<79x128xi32, #tpu.memory_space<vmem>>, %arg7: memref<20224xf32, #tpu.memory_space<vmem>>) attributes {dimension_semantics = [#tpu.dimension_semantics<core_parallel>, #tpu.dimension_semantics<subcore_parallel>], iteration_bounds = array<i64: 2, 16>, scalar_prefetch = 0 : i64, scratch_operands = 3 : i64, tpu.core_type = #tpu.core_type<sc_vector_subcore>, window_params = [{transform_indices = #map}, {transform_indices = #map}, {transform_indices = #map1}]} {
    %mul3A = arith.constant 16 : i32
    %mul3A_0 = arith.muli %arg0, %mul3A : i32
    %add3A = arith.addi %mul3A_0, %arg1 : i32
    "tpu.region"() ({
      %run_scoped3A = tpu.sem_alloc : memref<!tpu.dma_semaphore, #tpu.memory_space<semaphore_mem>>
      %dma_start3A = arith.constant 0 : i32
      %dma_start3A_13 = arith.constant 0 : i32
      %dma_start3A_14 = tpu.memref_slice %arg2[%add3A, %dma_start3A, %dma_start3A_13] : memref<32x79x128xi32, #tpu.memory_space<hbm>> -> memref<1x79x128xi32, #tpu.memory_space<hbm>>
      %dma_start3A_15 = tpu.memref_squeeze %dma_start3A_14 : memref<1x79x128xi32, #tpu.memory_space<hbm>> -> memref<79x128xi32, #tpu.memory_space<hbm>>
      %dma_start3A_16 = arith.constant 0 : i32
      %dma_start3A_17 = arith.constant 0 : i32
      %dma_start3A_18 = tpu.memref_slice %arg2[%add3A, %dma_start3A_16, %dma_start3A_17] : memref<32x79x128xi32, #tpu.memory_space<hbm>> -> memref<1x79x128xi32, #tpu.memory_space<hbm>>
      %dma_start3A_19 = tpu.memref_squeeze %dma_start3A_18 : memref<1x79x128xi32, #tpu.memory_space<hbm>> -> memref<79x128xi32, #tpu.memory_space<hbm>>
      tpu.enqueue_dma source(%dma_start3A_19 : memref<79x128xi32, #tpu.memory_space<hbm>>) target(%arg5 : memref<79x128xi32, #tpu.memory_space<vmem>>) target_semaphore(%run_scoped3A : memref<!tpu.dma_semaphore, #tpu.memory_space<semaphore_mem>>)
      %dma_wait3A = arith.constant 0 : i32
      %dma_wait3A_20 = arith.constant 0 : i32
      %dma_wait3A_21 = tpu.memref_slice %arg2[%add3A, %dma_wait3A, %dma_wait3A_20] : memref<32x79x128xi32, #tpu.memory_space<hbm>> -> memref<1x79x128xi32, #tpu.memory_space<hbm>>
      %dma_wait3A_22 = tpu.memref_squeeze %dma_wait3A_21 : memref<1x79x128xi32, #tpu.memory_space<hbm>> -> memref<79x128xi32, #tpu.memory_space<hbm>>
      %dma_wait3A_23 = arith.constant 0 : i32
      %dma_wait3A_24 = arith.constant 0 : i32
      %dma_wait3A_25 = tpu.memref_slice %arg2[%add3A, %dma_wait3A_23, %dma_wait3A_24] : memref<32x79x128xi32, #tpu.memory_space<hbm>> -> memref<1x79x128xi32, #tpu.memory_space<hbm>>
      %dma_wait3A_26 = tpu.memref_squeeze %dma_wait3A_25 : memref<1x79x128xi32, #tpu.memory_space<hbm>> -> memref<79x128xi32, #tpu.memory_space<hbm>>
      tpu.wait_dma2 semaphore(%run_scoped3A : memref<!tpu.dma_semaphore, #tpu.memory_space<semaphore_mem>>) src(%dma_wait3A_26 : memref<79x128xi32, #tpu.memory_space<hbm>>) dst(%arg5 : memref<79x128xi32, #tpu.memory_space<vmem>>)
      tpu.yield
    }) : () -> ()
    "tpu.region"() ({
      %run_scoped3A = tpu.sem_alloc : memref<!tpu.dma_semaphore, #tpu.memory_space<semaphore_mem>>
      %dma_start3A = arith.constant 0 : i32
      %dma_start3A_13 = arith.constant 0 : i32
      %dma_start3A_14 = tpu.memref_slice %arg3[%add3A, %dma_start3A, %dma_start3A_13] : memref<32x79x128xi32, #tpu.memory_space<hbm>> -> memref<1x79x128xi32, #tpu.memory_space<hbm>>
      %dma_start3A_15 = tpu.memref_squeeze %dma_start3A_14 : memref<1x79x128xi32, #tpu.memory_space<hbm>> -> memref<79x128xi32, #tpu.memory_space<hbm>>
      %dma_start3A_16 = arith.constant 0 : i32
      %dma_start3A_17 = arith.constant 0 : i32
      %dma_start3A_18 = tpu.memref_slice %arg3[%add3A, %dma_start3A_16, %dma_start3A_17] : memref<32x79x128xi32, #tpu.memory_space<hbm>> -> memref<1x79x128xi32, #tpu.memory_space<hbm>>
      %dma_start3A_19 = tpu.memref_squeeze %dma_start3A_18 : memref<1x79x128xi32, #tpu.memory_space<hbm>> -> memref<79x128xi32, #tpu.memory_space<hbm>>
      tpu.enqueue_dma source(%dma_start3A_19 : memref<79x128xi32, #tpu.memory_space<hbm>>) target(%arg6 : memref<79x128xi32, #tpu.memory_space<vmem>>) target_semaphore(%run_scoped3A : memref<!tpu.dma_semaphore, #tpu.memory_space<semaphore_mem>>)
      %dma_wait3A = arith.constant 0 : i32
      %dma_wait3A_20 = arith.constant 0 : i32
      %dma_wait3A_21 = tpu.memref_slice %arg3[%add3A, %dma_wait3A, %dma_wait3A_20] : memref<32x79x128xi32, #tpu.memory_space<hbm>> -> memref<1x79x128xi32, #tpu.memory_space<hbm>>
      %dma_wait3A_22 = tpu.memref_squeeze %dma_wait3A_21 : memref<1x79x128xi32, #tpu.memory_space<hbm>> -> memref<79x128xi32, #tpu.memory_space<hbm>>
      %dma_wait3A_23 = arith.constant 0 : i32
      %dma_wait3A_24 = arith.constant 0 : i32
      %dma_wait3A_25 = tpu.memref_slice %arg3[%add3A, %dma_wait3A_23, %dma_wait3A_24] : memref<32x79x128xi32, #tpu.memory_space<hbm>> -> memref<1x79x128xi32, #tpu.memory_space<hbm>>
      %dma_wait3A_26 = tpu.memref_squeeze %dma_wait3A_25 : memref<1x79x128xi32, #tpu.memory_space<hbm>> -> memref<79x128xi32, #tpu.memory_space<hbm>>
      tpu.wait_dma2 semaphore(%run_scoped3A : memref<!tpu.dma_semaphore, #tpu.memory_space<semaphore_mem>>) src(%dma_wait3A_26 : memref<79x128xi32, #tpu.memory_space<hbm>>) dst(%arg6 : memref<79x128xi32, #tpu.memory_space<vmem>>)
      tpu.yield
    }) : () -> ()
    %broadcast_in_dim3A = arith.constant 0.000000e+00 : f32
    %broadcast_in_dim3A_1 = vector.broadcast %broadcast_in_dim3A : f32 to vector<16xf32>
    %scan3A = arith.constant 0 : i32
    %scan3A_2 = arith.constant 1264 : i32
    %scan3A_3 = arith.addi %scan3A, %scan3A_2 : i32
    %scan3A_4 = arith.constant 1 : i32
    scf.for %scan3A_13 = %scan3A to %scan3A_3 step %scan3A_4  : i32 {
      %mul3A_14 = arith.constant 16 : i32
      %mul3A_15 = arith.muli %scan3A_13, %mul3A_14 : i32
      %swap3A = arith.index_cast %mul3A_15 : i32 to index
      %swap3A_16 = tpu.vector_load %arg7[%swap3A] {strides = array<i32>} : memref<20224xf32, #tpu.memory_space<vmem>>, vector<16xf32>,
      tpu.vector_store %arg7[%swap3A], %broadcast_in_dim3A_1 {strides = array<i32>} : memref<20224xf32, #tpu.memory_space<vmem>>, vector<16xf32>,
    }
    %scan3A_5 = arith.constant 1264 : i32
    %broadcast_in_dim3A_6 = arith.constant 1.000000e+00 : f32
    %broadcast_in_dim3A_7 = vector.broadcast %broadcast_in_dim3A_6 : f32 to vector<16xf32>
    %scan3A_8 = arith.constant 0 : i32
    %scan3A_9 = arith.constant 625 : i32
    %scan3A_10 = arith.addi %scan3A_8, %scan3A_9 : i32
    %scan3A_11 = arith.constant 1 : i32
    scf.for %scan3A_13 = %scan3A_8 to %scan3A_10 step %scan3A_11  : i32 {
      %shift_right_arithmetic3A = arith.constant 3 : i32
      %shift_right_arithmetic3A_14 = arith.shrsi %scan3A_13, %shift_right_arithmetic3A : i32
      %and3A = arith.constant 7 : i32
      %and3A_15 = arith.andi %scan3A_13, %and3A : i32
      %mul3A_16 = arith.constant 16 : i32
      %mul3A_17 = arith.muli %and3A_15, %mul3A_16 : i32
      %get3A = arith.index_cast %shift_right_arithmetic3A_14 : i32 to index
      %get3A_18 = arith.index_cast %mul3A_17 : i32 to index
      %get3A_19 = tpu.vector_load %arg5[%get3A, %get3A_18] {strides = array<i32>} : memref<79x128xi32, #tpu.memory_space<vmem>>, vector<16xi32>,
      tpu.vector_store_idx %arg7[%get3A_19], %broadcast_in_dim3A_7 {add = true} : memref<20224xf32, #tpu.memory_space<vmem>>[vector<16xi32>], vector<16xf32>,
      %get3A_20 = arith.index_cast %shift_right_arithmetic3A_14 : i32 to index
      %get3A_21 = arith.index_cast %mul3A_17 : i32 to index
      %get3A_22 = tpu.vector_load %arg6[%get3A_20, %get3A_21] {strides = array<i32>} : memref<79x128xi32, #tpu.memory_space<vmem>>, vector<16xi32>,
      %add3A_23 = arith.constant 10112 : i32
      %add3A_24 = vector.broadcast %add3A_23 : i32 to vector<16xi32>
      %add3A_25 = arith.addi %get3A_22, %add3A_24 : vector<16xi32>
      tpu.vector_store_idx %arg7[%add3A_25], %broadcast_in_dim3A_7 {add = true} : memref<20224xf32, #tpu.memory_space<vmem>>[vector<16xi32>], vector<16xf32>,
    }
    %scan3A_12 = arith.constant 625 : i32
    "tpu.region"() ({
      %run_scoped3A = tpu.sem_alloc : memref<!tpu.dma_semaphore, #tpu.memory_space<semaphore_mem>>
      %dma_start3A = arith.constant 0 : i32
      %dma_start3A_13 = tpu.memref_slice %arg4[%add3A, %dma_start3A] : memref<32x20224xf32, #tpu.memory_space<hbm>> -> memref<1x20224xf32, #tpu.memory_space<hbm>>
      %dma_start3A_14 = tpu.memref_squeeze %dma_start3A_13 : memref<1x20224xf32, #tpu.memory_space<hbm>> -> memref<20224xf32, #tpu.memory_space<hbm>>
      %dma_start3A_15 = arith.constant 0 : i32
      %dma_start3A_16 = tpu.memref_slice %arg4[%add3A, %dma_start3A_15] : memref<32x20224xf32, #tpu.memory_space<hbm>> -> memref<1x20224xf32, #tpu.memory_space<hbm>>
      %dma_start3A_17 = tpu.memref_squeeze %dma_start3A_16 : memref<1x20224xf32, #tpu.memory_space<hbm>> -> memref<20224xf32, #tpu.memory_space<hbm>>
      tpu.enqueue_dma source(%arg7 : memref<20224xf32, #tpu.memory_space<vmem>>) target(%dma_start3A_17 : memref<20224xf32, #tpu.memory_space<hbm>>) target_semaphore(%run_scoped3A : memref<!tpu.dma_semaphore, #tpu.memory_space<semaphore_mem>>)
      %dma_wait3A = arith.constant 0 : i32
      %dma_wait3A_18 = tpu.memref_slice %arg4[%add3A, %dma_wait3A] : memref<32x20224xf32, #tpu.memory_space<hbm>> -> memref<1x20224xf32, #tpu.memory_space<hbm>>
      %dma_wait3A_19 = tpu.memref_squeeze %dma_wait3A_18 : memref<1x20224xf32, #tpu.memory_space<hbm>> -> memref<20224xf32, #tpu.memory_space<hbm>>
      %dma_wait3A_20 = arith.constant 0 : i32
      %dma_wait3A_21 = tpu.memref_slice %arg4[%add3A, %dma_wait3A_20] : memref<32x20224xf32, #tpu.memory_space<hbm>> -> memref<1x20224xf32, #tpu.memory_space<hbm>>
      %dma_wait3A_22 = tpu.memref_squeeze %dma_wait3A_21 : memref<1x20224xf32, #tpu.memory_space<hbm>> -> memref<20224xf32, #tpu.memory_space<hbm>>
      tpu.wait_dma2 semaphore(%run_scoped3A : memref<!tpu.dma_semaphore, #tpu.memory_space<semaphore_mem>>) src(%arg7 : memref<20224xf32, #tpu.memory_space<vmem>>) dst(%dma_wait3A_22 : memref<20224xf32, #tpu.memory_space<hbm>>)
      tpu.yield
    }) : () -> ()
    return
  }
}

#map = affine_map<(d0, d1) -> (0, 0)>
#map1 = affine_map<(d0, d1) -> (0, 0, 0)>
module attributes {stable_mosaic.version = 14 : i64} {
  func.func @agg(%arg0: i32, %arg1: i32, %arg2: memref<10000x48xf32, #tpu.memory_space<hbm>>, %arg3: memref<32x79x128xi32, #tpu.memory_space<hbm>>, %arg4: memref<32x79x128xi32, #tpu.memory_space<hbm>>, %arg5: memref<2x10240x48xf32, #tpu.memory_space<hbm>>, %arg6: memref<79x128xi32, #tpu.memory_space<vmem>>, %arg7: memref<79x128xi32, #tpu.memory_space<vmem>>, %arg8: memref<2x128x48xf32, #tpu.memory_space<vmem>>, %arg9: memref<10240x48xf32, #tpu.memory_space<vmem_shared>>, %arg10: memref<!tpu.dma_semaphore, #tpu.memory_space<semaphore_mem>>, %arg11: memref<!tpu.dma_semaphore, #tpu.memory_space<semaphore_mem>>) attributes {dimension_semantics = [#tpu.dimension_semantics<core_parallel>, #tpu.dimension_semantics<subcore_parallel>], iteration_bounds = array<i64: 2, 16>, scalar_prefetch = 0 : i64, scratch_operands = 6 : i64, tpu.core_type = #tpu.core_type<sc_vector_subcore>, window_params = [{transform_indices = #map}, {transform_indices = #map1}, {transform_indices = #map1}, {transform_indices = #map1}]} {
    %mul3A = arith.constant 16 : i32
    %mul3A_0 = arith.muli %arg0, %mul3A : i32
    %add3A = arith.addi %mul3A_0, %arg1 : i32
    "tpu.region"() ({
      %run_scoped3A_39 = tpu.sem_alloc : memref<!tpu.dma_semaphore, #tpu.memory_space<semaphore_mem>>
      %dma_start3A_40 = arith.constant 0 : i32
      %dma_start3A_41 = arith.constant 0 : i32
      %dma_start3A_42 = tpu.memref_slice %arg3[%add3A, %dma_start3A_40, %dma_start3A_41] : memref<32x79x128xi32, #tpu.memory_space<hbm>> -> memref<1x79x128xi32, #tpu.memory_space<hbm>>
      %dma_start3A_43 = tpu.memref_squeeze %dma_start3A_42 : memref<1x79x128xi32, #tpu.memory_space<hbm>> -> memref<79x128xi32, #tpu.memory_space<hbm>>
      %dma_start3A_44 = arith.constant 0 : i32
      %dma_start3A_45 = arith.constant 0 : i32
      %dma_start3A_46 = tpu.memref_slice %arg3[%add3A, %dma_start3A_44, %dma_start3A_45] : memref<32x79x128xi32, #tpu.memory_space<hbm>> -> memref<1x79x128xi32, #tpu.memory_space<hbm>>
      %dma_start3A_47 = tpu.memref_squeeze %dma_start3A_46 : memref<1x79x128xi32, #tpu.memory_space<hbm>> -> memref<79x128xi32, #tpu.memory_space<hbm>>
      tpu.enqueue_dma source(%dma_start3A_47 : memref<79x128xi32, #tpu.memory_space<hbm>>) target(%arg6 : memref<79x128xi32, #tpu.memory_space<vmem>>) target_semaphore(%run_scoped3A_39 : memref<!tpu.dma_semaphore, #tpu.memory_space<semaphore_mem>>)
      %dma_wait3A = arith.constant 0 : i32
      %dma_wait3A_48 = arith.constant 0 : i32
      %dma_wait3A_49 = tpu.memref_slice %arg3[%add3A, %dma_wait3A, %dma_wait3A_48] : memref<32x79x128xi32, #tpu.memory_space<hbm>> -> memref<1x79x128xi32, #tpu.memory_space<hbm>>
      %dma_wait3A_50 = tpu.memref_squeeze %dma_wait3A_49 : memref<1x79x128xi32, #tpu.memory_space<hbm>> -> memref<79x128xi32, #tpu.memory_space<hbm>>
      %dma_wait3A_51 = arith.constant 0 : i32
      %dma_wait3A_52 = arith.constant 0 : i32
      %dma_wait3A_53 = tpu.memref_slice %arg3[%add3A, %dma_wait3A_51, %dma_wait3A_52] : memref<32x79x128xi32, #tpu.memory_space<hbm>> -> memref<1x79x128xi32, #tpu.memory_space<hbm>>
      %dma_wait3A_54 = tpu.memref_squeeze %dma_wait3A_53 : memref<1x79x128xi32, #tpu.memory_space<hbm>> -> memref<79x128xi32, #tpu.memory_space<hbm>>
      tpu.wait_dma2 semaphore(%run_scoped3A_39 : memref<!tpu.dma_semaphore, #tpu.memory_space<semaphore_mem>>) src(%dma_wait3A_54 : memref<79x128xi32, #tpu.memory_space<hbm>>) dst(%arg6 : memref<79x128xi32, #tpu.memory_space<vmem>>)
      tpu.yield
    }) : () -> ()
    "tpu.region"() ({
      %run_scoped3A_39 = tpu.sem_alloc : memref<!tpu.dma_semaphore, #tpu.memory_space<semaphore_mem>>
      %dma_start3A_40 = arith.constant 0 : i32
      %dma_start3A_41 = arith.constant 0 : i32
      %dma_start3A_42 = tpu.memref_slice %arg4[%add3A, %dma_start3A_40, %dma_start3A_41] : memref<32x79x128xi32, #tpu.memory_space<hbm>> -> memref<1x79x128xi32, #tpu.memory_space<hbm>>
      %dma_start3A_43 = tpu.memref_squeeze %dma_start3A_42 : memref<1x79x128xi32, #tpu.memory_space<hbm>> -> memref<79x128xi32, #tpu.memory_space<hbm>>
      %dma_start3A_44 = arith.constant 0 : i32
      %dma_start3A_45 = arith.constant 0 : i32
      %dma_start3A_46 = tpu.memref_slice %arg4[%add3A, %dma_start3A_44, %dma_start3A_45] : memref<32x79x128xi32, #tpu.memory_space<hbm>> -> memref<1x79x128xi32, #tpu.memory_space<hbm>>
      %dma_start3A_47 = tpu.memref_squeeze %dma_start3A_46 : memref<1x79x128xi32, #tpu.memory_space<hbm>> -> memref<79x128xi32, #tpu.memory_space<hbm>>
      tpu.enqueue_dma source(%dma_start3A_47 : memref<79x128xi32, #tpu.memory_space<hbm>>) target(%arg7 : memref<79x128xi32, #tpu.memory_space<vmem>>) target_semaphore(%run_scoped3A_39 : memref<!tpu.dma_semaphore, #tpu.memory_space<semaphore_mem>>)
      %dma_wait3A = arith.constant 0 : i32
      %dma_wait3A_48 = arith.constant 0 : i32
      %dma_wait3A_49 = tpu.memref_slice %arg4[%add3A, %dma_wait3A, %dma_wait3A_48] : memref<32x79x128xi32, #tpu.memory_space<hbm>> -> memref<1x79x128xi32, #tpu.memory_space<hbm>>
      %dma_wait3A_50 = tpu.memref_squeeze %dma_wait3A_49 : memref<1x79x128xi32, #tpu.memory_space<hbm>> -> memref<79x128xi32, #tpu.memory_space<hbm>>
      %dma_wait3A_51 = arith.constant 0 : i32
      %dma_wait3A_52 = arith.constant 0 : i32
      %dma_wait3A_53 = tpu.memref_slice %arg4[%add3A, %dma_wait3A_51, %dma_wait3A_52] : memref<32x79x128xi32, #tpu.memory_space<hbm>> -> memref<1x79x128xi32, #tpu.memory_space<hbm>>
      %dma_wait3A_54 = tpu.memref_squeeze %dma_wait3A_53 : memref<1x79x128xi32, #tpu.memory_space<hbm>> -> memref<79x128xi32, #tpu.memory_space<hbm>>
      tpu.wait_dma2 semaphore(%run_scoped3A_39 : memref<!tpu.dma_semaphore, #tpu.memory_space<semaphore_mem>>) src(%dma_wait3A_54 : memref<79x128xi32, #tpu.memory_space<hbm>>) dst(%arg7 : memref<79x128xi32, #tpu.memory_space<vmem>>)
      tpu.yield
    }) : () -> ()
    %broadcast_in_dim3A = arith.constant 0.000000e+00 : f32
    %broadcast_in_dim3A_1 = vector.broadcast %broadcast_in_dim3A : f32 to vector<16xf32>
    %scan3A = arith.constant 0 : i32
    %scan3A_2 = arith.constant 128 : i32
    %scan3A_3 = arith.addi %scan3A, %scan3A_2 : i32
    %scan3A_4 = arith.constant 1 : i32
    scf.for %scan3A_39 = %scan3A to %scan3A_3 step %scan3A_4  : i32 {
      %swap3A = arith.constant 0 : i32
      %swap3A_40 = arith.index_cast %swap3A : i32 to index
      %swap3A_41 = arith.index_cast %scan3A_39 : i32 to index
      %swap3A_42 = arith.constant 0 : index
      %swap3A_43 = tpu.vector_load %arg8[%swap3A_40, %swap3A_41, %swap3A_42] {strides = array<i32>} : memref<2x128x48xf32, #tpu.memory_space<vmem>>, vector<16xf32>,
      tpu.vector_store %arg8[%swap3A_40, %swap3A_41, %swap3A_42], %broadcast_in_dim3A_1 {strides = array<i32>} : memref<2x128x48xf32, #tpu.memory_space<vmem>>, vector<16xf32>,
      %swap3A_44 = arith.constant 0 : i32
      %swap3A_45 = arith.index_cast %swap3A_44 : i32 to index
      %swap3A_46 = arith.index_cast %scan3A_39 : i32 to index
      %swap3A_47 = arith.constant 16 : index
      %swap3A_48 = tpu.vector_load %arg8[%swap3A_45, %swap3A_46, %swap3A_47] {strides = array<i32>} : memref<2x128x48xf32, #tpu.memory_space<vmem>>, vector<16xf32>,
      tpu.vector_store %arg8[%swap3A_45, %swap3A_46, %swap3A_47], %broadcast_in_dim3A_1 {strides = array<i32>} : memref<2x128x48xf32, #tpu.memory_space<vmem>>, vector<16xf32>,
      %swap3A_49 = arith.constant 0 : i32
      %swap3A_50 = arith.index_cast %swap3A_49 : i32 to index
      %swap3A_51 = arith.index_cast %scan3A_39 : i32 to index
      %swap3A_52 = arith.constant 32 : index
      %swap3A_53 = tpu.vector_load %arg8[%swap3A_50, %swap3A_51, %swap3A_52] {strides = array<i32>} : memref<2x128x48xf32, #tpu.memory_space<vmem>>, vector<16xf32>,
      tpu.vector_store %arg8[%swap3A_50, %swap3A_51, %swap3A_52], %broadcast_in_dim3A_1 {strides = array<i32>} : memref<2x128x48xf32, #tpu.memory_space<vmem>>, vector<16xf32>,
    }
    %scan3A_5 = arith.constant 128 : i32
    %mul3A_6 = arith.constant 640 : i32
    %mul3A_7 = arith.muli %arg1, %mul3A_6 : i32
    %add3A_8 = arith.constant 0 : i32
    %add3A_9 = arith.addi %mul3A_7, %add3A_8 : i32
    %run_scoped3A = arith.constant 0 : i32
    "tpu.region"() ({
      %run_scoped3A_39 = tpu.sem_alloc : memref<!tpu.dma_semaphore, #tpu.memory_space<semaphore_mem>>
      %dma_start3A_40 = arith.constant 0 : i32
      %dma_start3A_41 = arith.constant 0 : i32
      %dma_start3A_42 = tpu.memref_slice %arg8[%run_scoped3A, %dma_start3A_40, %dma_start3A_41] : memref<2x128x48xf32, #tpu.memory_space<vmem>> -> memref<1x128x48xf32, #tpu.memory_space<vmem>>
      %dma_start3A_43 = tpu.memref_squeeze %dma_start3A_42 : memref<1x128x48xf32, #tpu.memory_space<vmem>> -> memref<128x48xf32, #tpu.memory_space<vmem>>
      %dma_start3A_44 = arith.constant 0 : i32
      %dma_start3A_45 = tpu.memref_slice %arg9[%add3A_9, %dma_start3A_44] : memref<10240x48xf32, #tpu.memory_space<vmem_shared>> -> memref<128x48xf32, #tpu.memory_space<vmem_shared>>
      %dma_start3A_46 = arith.constant 0 : i32
      %dma_start3A_47 = tpu.memref_slice %arg9[%add3A_9, %dma_start3A_46] : memref<10240x48xf32, #tpu.memory_space<vmem_shared>> -> memref<128x48xf32, #tpu.memory_space<vmem_shared>>
      %dma_start3A_48 = arith.constant 0 : i32
      %dma_start3A_49 = arith.constant 0 : i32
      %dma_start3A_50 = tpu.memref_slice %arg8[%run_scoped3A, %dma_start3A_48, %dma_start3A_49] : memref<2x128x48xf32, #tpu.memory_space<vmem>> -> memref<1x128x48xf32, #tpu.memory_space<vmem>>
      %dma_start3A_51 = tpu.memref_squeeze %dma_start3A_50 : memref<1x128x48xf32, #tpu.memory_space<vmem>> -> memref<128x48xf32, #tpu.memory_space<vmem>>
      tpu.enqueue_dma source(%dma_start3A_51 : memref<128x48xf32, #tpu.memory_space<vmem>>) target(%dma_start3A_47 : memref<128x48xf32, #tpu.memory_space<vmem_shared>>) target_semaphore(%run_scoped3A_39 : memref<!tpu.dma_semaphore, #tpu.memory_space<semaphore_mem>>)
      %dma_wait3A = arith.constant 0 : i32
      %dma_wait3A_52 = arith.constant 0 : i32
      %dma_wait3A_53 = tpu.memref_slice %arg8[%run_scoped3A, %dma_wait3A, %dma_wait3A_52] : memref<2x128x48xf32, #tpu.memory_space<vmem>> -> memref<1x128x48xf32, #tpu.memory_space<vmem>>
      %dma_wait3A_54 = tpu.memref_squeeze %dma_wait3A_53 : memref<1x128x48xf32, #tpu.memory_space<vmem>> -> memref<128x48xf32, #tpu.memory_space<vmem>>
      %dma_wait3A_55 = arith.constant 0 : i32
      %dma_wait3A_56 = tpu.memref_slice %arg9[%add3A_9, %dma_wait3A_55] : memref<10240x48xf32, #tpu.memory_space<vmem_shared>> -> memref<128x48xf32, #tpu.memory_space<vmem_shared>>
      %dma_wait3A_57 = arith.constant 0 : i32
      %dma_wait3A_58 = tpu.memref_slice %arg9[%add3A_9, %dma_wait3A_57] : memref<10240x48xf32, #tpu.memory_space<vmem_shared>> -> memref<128x48xf32, #tpu.memory_space<vmem_shared>>
      %dma_wait3A_59 = arith.constant 0 : i32
      %dma_wait3A_60 = arith.constant 0 : i32
      %dma_wait3A_61 = tpu.memref_slice %arg8[%run_scoped3A, %dma_wait3A_59, %dma_wait3A_60] : memref<2x128x48xf32, #tpu.memory_space<vmem>> -> memref<1x128x48xf32, #tpu.memory_space<vmem>>
      %dma_wait3A_62 = tpu.memref_squeeze %dma_wait3A_61 : memref<1x128x48xf32, #tpu.memory_space<vmem>> -> memref<128x48xf32, #tpu.memory_space<vmem>>
      tpu.wait_dma2 semaphore(%run_scoped3A_39 : memref<!tpu.dma_semaphore, #tpu.memory_space<semaphore_mem>>) src(%dma_wait3A_62 : memref<128x48xf32, #tpu.memory_space<vmem>>) dst(%dma_wait3A_58 : memref<128x48xf32, #tpu.memory_space<vmem_shared>>)
      tpu.yield
    }) : () -> ()
    %add3A_10 = arith.constant 128 : i32
    %add3A_11 = arith.addi %mul3A_7, %add3A_10 : i32
    %run_scoped3A_12 = arith.constant 0 : i32
    "tpu.region"() ({
      %run_scoped3A_39 = tpu.sem_alloc : memref<!tpu.dma_semaphore, #tpu.memory_space<semaphore_mem>>
      %dma_start3A_40 = arith.constant 0 : i32
      %dma_start3A_41 = arith.constant 0 : i32
      %dma_start3A_42 = tpu.memref_slice %arg8[%run_scoped3A_12, %dma_start3A_40, %dma_start3A_41] : memref<2x128x48xf32, #tpu.memory_space<vmem>> -> memref<1x128x48xf32, #tpu.memory_space<vmem>>
      %dma_start3A_43 = tpu.memref_squeeze %dma_start3A_42 : memref<1x128x48xf32, #tpu.memory_space<vmem>> -> memref<128x48xf32, #tpu.memory_space<vmem>>
      %dma_start3A_44 = arith.constant 0 : i32
      %dma_start3A_45 = tpu.memref_slice %arg9[%add3A_11, %dma_start3A_44] : memref<10240x48xf32, #tpu.memory_space<vmem_shared>> -> memref<128x48xf32, #tpu.memory_space<vmem_shared>>
      %dma_start3A_46 = arith.constant 0 : i32
      %dma_start3A_47 = tpu.memref_slice %arg9[%add3A_11, %dma_start3A_46] : memref<10240x48xf32, #tpu.memory_space<vmem_shared>> -> memref<128x48xf32, #tpu.memory_space<vmem_shared>>
      %dma_start3A_48 = arith.constant 0 : i32
      %dma_start3A_49 = arith.constant 0 : i32
      %dma_start3A_50 = tpu.memref_slice %arg8[%run_scoped3A_12, %dma_start3A_48, %dma_start3A_49] : memref<2x128x48xf32, #tpu.memory_space<vmem>> -> memref<1x128x48xf32, #tpu.memory_space<vmem>>
      %dma_start3A_51 = tpu.memref_squeeze %dma_start3A_50 : memref<1x128x48xf32, #tpu.memory_space<vmem>> -> memref<128x48xf32, #tpu.memory_space<vmem>>
      tpu.enqueue_dma source(%dma_start3A_51 : memref<128x48xf32, #tpu.memory_space<vmem>>) target(%dma_start3A_47 : memref<128x48xf32, #tpu.memory_space<vmem_shared>>) target_semaphore(%run_scoped3A_39 : memref<!tpu.dma_semaphore, #tpu.memory_space<semaphore_mem>>)
      %dma_wait3A = arith.constant 0 : i32
      %dma_wait3A_52 = arith.constant 0 : i32
      %dma_wait3A_53 = tpu.memref_slice %arg8[%run_scoped3A_12, %dma_wait3A, %dma_wait3A_52] : memref<2x128x48xf32, #tpu.memory_space<vmem>> -> memref<1x128x48xf32, #tpu.memory_space<vmem>>
      %dma_wait3A_54 = tpu.memref_squeeze %dma_wait3A_53 : memref<1x128x48xf32, #tpu.memory_space<vmem>> -> memref<128x48xf32, #tpu.memory_space<vmem>>
      %dma_wait3A_55 = arith.constant 0 : i32
      %dma_wait3A_56 = tpu.memref_slice %arg9[%add3A_11, %dma_wait3A_55] : memref<10240x48xf32, #tpu.memory_space<vmem_shared>> -> memref<128x48xf32, #tpu.memory_space<vmem_shared>>
      %dma_wait3A_57 = arith.constant 0 : i32
      %dma_wait3A_58 = tpu.memref_slice %arg9[%add3A_11, %dma_wait3A_57] : memref<10240x48xf32, #tpu.memory_space<vmem_shared>> -> memref<128x48xf32, #tpu.memory_space<vmem_shared>>
      %dma_wait3A_59 = arith.constant 0 : i32
      %dma_wait3A_60 = arith.constant 0 : i32
      %dma_wait3A_61 = tpu.memref_slice %arg8[%run_scoped3A_12, %dma_wait3A_59, %dma_wait3A_60] : memref<2x128x48xf32, #tpu.memory_space<vmem>> -> memref<1x128x48xf32, #tpu.memory_space<vmem>>
      %dma_wait3A_62 = tpu.memref_squeeze %dma_wait3A_61 : memref<1x128x48xf32, #tpu.memory_space<vmem>> -> memref<128x48xf32, #tpu.memory_space<vmem>>
      tpu.wait_dma2 semaphore(%run_scoped3A_39 : memref<!tpu.dma_semaphore, #tpu.memory_space<semaphore_mem>>) src(%dma_wait3A_62 : memref<128x48xf32, #tpu.memory_space<vmem>>) dst(%dma_wait3A_58 : memref<128x48xf32, #tpu.memory_space<vmem_shared>>)
      tpu.yield
    }) : () -> ()
    %add3A_13 = arith.constant 256 : i32
    %add3A_14 = arith.addi %mul3A_7, %add3A_13 : i32
    %run_scoped3A_15 = arith.constant 0 : i32
    "tpu.region"() ({
      %run_scoped3A_39 = tpu.sem_alloc : memref<!tpu.dma_semaphore, #tpu.memory_space<semaphore_mem>>
      %dma_start3A_40 = arith.constant 0 : i32
      %dma_start3A_41 = arith.constant 0 : i32
      %dma_start3A_42 = tpu.memref_slice %arg8[%run_scoped3A_15, %dma_start3A_40, %dma_start3A_41] : memref<2x128x48xf32, #tpu.memory_space<vmem>> -> memref<1x128x48xf32, #tpu.memory_space<vmem>>
      %dma_start3A_43 = tpu.memref_squeeze %dma_start3A_42 : memref<1x128x48xf32, #tpu.memory_space<vmem>> -> memref<128x48xf32, #tpu.memory_space<vmem>>
      %dma_start3A_44 = arith.constant 0 : i32
      %dma_start3A_45 = tpu.memref_slice %arg9[%add3A_14, %dma_start3A_44] : memref<10240x48xf32, #tpu.memory_space<vmem_shared>> -> memref<128x48xf32, #tpu.memory_space<vmem_shared>>
      %dma_start3A_46 = arith.constant 0 : i32
      %dma_start3A_47 = tpu.memref_slice %arg9[%add3A_14, %dma_start3A_46] : memref<10240x48xf32, #tpu.memory_space<vmem_shared>> -> memref<128x48xf32, #tpu.memory_space<vmem_shared>>
      %dma_start3A_48 = arith.constant 0 : i32
      %dma_start3A_49 = arith.constant 0 : i32
      %dma_start3A_50 = tpu.memref_slice %arg8[%run_scoped3A_15, %dma_start3A_48, %dma_start3A_49] : memref<2x128x48xf32, #tpu.memory_space<vmem>> -> memref<1x128x48xf32, #tpu.memory_space<vmem>>
      %dma_start3A_51 = tpu.memref_squeeze %dma_start3A_50 : memref<1x128x48xf32, #tpu.memory_space<vmem>> -> memref<128x48xf32, #tpu.memory_space<vmem>>
      tpu.enqueue_dma source(%dma_start3A_51 : memref<128x48xf32, #tpu.memory_space<vmem>>) target(%dma_start3A_47 : memref<128x48xf32, #tpu.memory_space<vmem_shared>>) target_semaphore(%run_scoped3A_39 : memref<!tpu.dma_semaphore, #tpu.memory_space<semaphore_mem>>)
      %dma_wait3A = arith.constant 0 : i32
      %dma_wait3A_52 = arith.constant 0 : i32
      %dma_wait3A_53 = tpu.memref_slice %arg8[%run_scoped3A_15, %dma_wait3A, %dma_wait3A_52] : memref<2x128x48xf32, #tpu.memory_space<vmem>> -> memref<1x128x48xf32, #tpu.memory_space<vmem>>
      %dma_wait3A_54 = tpu.memref_squeeze %dma_wait3A_53 : memref<1x128x48xf32, #tpu.memory_space<vmem>> -> memref<128x48xf32, #tpu.memory_space<vmem>>
      %dma_wait3A_55 = arith.constant 0 : i32
      %dma_wait3A_56 = tpu.memref_slice %arg9[%add3A_14, %dma_wait3A_55] : memref<10240x48xf32, #tpu.memory_space<vmem_shared>> -> memref<128x48xf32, #tpu.memory_space<vmem_shared>>
      %dma_wait3A_57 = arith.constant 0 : i32
      %dma_wait3A_58 = tpu.memref_slice %arg9[%add3A_14, %dma_wait3A_57] : memref<10240x48xf32, #tpu.memory_space<vmem_shared>> -> memref<128x48xf32, #tpu.memory_space<vmem_shared>>
      %dma_wait3A_59 = arith.constant 0 : i32
      %dma_wait3A_60 = arith.constant 0 : i32
      %dma_wait3A_61 = tpu.memref_slice %arg8[%run_scoped3A_15, %dma_wait3A_59, %dma_wait3A_60] : memref<2x128x48xf32, #tpu.memory_space<vmem>> -> memref<1x128x48xf32, #tpu.memory_space<vmem>>
      %dma_wait3A_62 = tpu.memref_squeeze %dma_wait3A_61 : memref<1x128x48xf32, #tpu.memory_space<vmem>> -> memref<128x48xf32, #tpu.memory_space<vmem>>
      tpu.wait_dma2 semaphore(%run_scoped3A_39 : memref<!tpu.dma_semaphore, #tpu.memory_space<semaphore_mem>>) src(%dma_wait3A_62 : memref<128x48xf32, #tpu.memory_space<vmem>>) dst(%dma_wait3A_58 : memref<128x48xf32, #tpu.memory_space<vmem_shared>>)
      tpu.yield
    }) : () -> ()
    %add3A_16 = arith.constant 384 : i32
    %add3A_17 = arith.addi %mul3A_7, %add3A_16 : i32
    %run_scoped3A_18 = arith.constant 0 : i32
    "tpu.region"() ({
      %run_scoped3A_39 = tpu.sem_alloc : memref<!tpu.dma_semaphore, #tpu.memory_space<semaphore_mem>>
      %dma_start3A_40 = arith.constant 0 : i32
      %dma_start3A_41 = arith.constant 0 : i32
      %dma_start3A_42 = tpu.memref_slice %arg8[%run_scoped3A_18, %dma_start3A_40, %dma_start3A_41] : memref<2x128x48xf32, #tpu.memory_space<vmem>> -> memref<1x128x48xf32, #tpu.memory_space<vmem>>
      %dma_start3A_43 = tpu.memref_squeeze %dma_start3A_42 : memref<1x128x48xf32, #tpu.memory_space<vmem>> -> memref<128x48xf32, #tpu.memory_space<vmem>>
      %dma_start3A_44 = arith.constant 0 : i32
      %dma_start3A_45 = tpu.memref_slice %arg9[%add3A_17, %dma_start3A_44] : memref<10240x48xf32, #tpu.memory_space<vmem_shared>> -> memref<128x48xf32, #tpu.memory_space<vmem_shared>>
      %dma_start3A_46 = arith.constant 0 : i32
      %dma_start3A_47 = tpu.memref_slice %arg9[%add3A_17, %dma_start3A_46] : memref<10240x48xf32, #tpu.memory_space<vmem_shared>> -> memref<128x48xf32, #tpu.memory_space<vmem_shared>>
      %dma_start3A_48 = arith.constant 0 : i32
      %dma_start3A_49 = arith.constant 0 : i32
      %dma_start3A_50 = tpu.memref_slice %arg8[%run_scoped3A_18, %dma_start3A_48, %dma_start3A_49] : memref<2x128x48xf32, #tpu.memory_space<vmem>> -> memref<1x128x48xf32, #tpu.memory_space<vmem>>
      %dma_start3A_51 = tpu.memref_squeeze %dma_start3A_50 : memref<1x128x48xf32, #tpu.memory_space<vmem>> -> memref<128x48xf32, #tpu.memory_space<vmem>>
      tpu.enqueue_dma source(%dma_start3A_51 : memref<128x48xf32, #tpu.memory_space<vmem>>) target(%dma_start3A_47 : memref<128x48xf32, #tpu.memory_space<vmem_shared>>) target_semaphore(%run_scoped3A_39 : memref<!tpu.dma_semaphore, #tpu.memory_space<semaphore_mem>>)
      %dma_wait3A = arith.constant 0 : i32
      %dma_wait3A_52 = arith.constant 0 : i32
      %dma_wait3A_53 = tpu.memref_slice %arg8[%run_scoped3A_18, %dma_wait3A, %dma_wait3A_52] : memref<2x128x48xf32, #tpu.memory_space<vmem>> -> memref<1x128x48xf32, #tpu.memory_space<vmem>>
      %dma_wait3A_54 = tpu.memref_squeeze %dma_wait3A_53 : memref<1x128x48xf32, #tpu.memory_space<vmem>> -> memref<128x48xf32, #tpu.memory_space<vmem>>
      %dma_wait3A_55 = arith.constant 0 : i32
      %dma_wait3A_56 = tpu.memref_slice %arg9[%add3A_17, %dma_wait3A_55] : memref<10240x48xf32, #tpu.memory_space<vmem_shared>> -> memref<128x48xf32, #tpu.memory_space<vmem_shared>>
      %dma_wait3A_57 = arith.constant 0 : i32
      %dma_wait3A_58 = tpu.memref_slice %arg9[%add3A_17, %dma_wait3A_57] : memref<10240x48xf32, #tpu.memory_space<vmem_shared>> -> memref<128x48xf32, #tpu.memory_space<vmem_shared>>
      %dma_wait3A_59 = arith.constant 0 : i32
      %dma_wait3A_60 = arith.constant 0 : i32
      %dma_wait3A_61 = tpu.memref_slice %arg8[%run_scoped3A_18, %dma_wait3A_59, %dma_wait3A_60] : memref<2x128x48xf32, #tpu.memory_space<vmem>> -> memref<1x128x48xf32, #tpu.memory_space<vmem>>
      %dma_wait3A_62 = tpu.memref_squeeze %dma_wait3A_61 : memref<1x128x48xf32, #tpu.memory_space<vmem>> -> memref<128x48xf32, #tpu.memory_space<vmem>>
      tpu.wait_dma2 semaphore(%run_scoped3A_39 : memref<!tpu.dma_semaphore, #tpu.memory_space<semaphore_mem>>) src(%dma_wait3A_62 : memref<128x48xf32, #tpu.memory_space<vmem>>) dst(%dma_wait3A_58 : memref<128x48xf32, #tpu.memory_space<vmem_shared>>)
      tpu.yield
    }) : () -> ()
    %add3A_19 = arith.constant 512 : i32
    %add3A_20 = arith.addi %mul3A_7, %add3A_19 : i32
    %run_scoped3A_21 = arith.constant 0 : i32
    "tpu.region"() ({
      %run_scoped3A_39 = tpu.sem_alloc : memref<!tpu.dma_semaphore, #tpu.memory_space<semaphore_mem>>
      %dma_start3A_40 = arith.constant 0 : i32
      %dma_start3A_41 = arith.constant 0 : i32
      %dma_start3A_42 = tpu.memref_slice %arg8[%run_scoped3A_21, %dma_start3A_40, %dma_start3A_41] : memref<2x128x48xf32, #tpu.memory_space<vmem>> -> memref<1x128x48xf32, #tpu.memory_space<vmem>>
      %dma_start3A_43 = tpu.memref_squeeze %dma_start3A_42 : memref<1x128x48xf32, #tpu.memory_space<vmem>> -> memref<128x48xf32, #tpu.memory_space<vmem>>
      %dma_start3A_44 = arith.constant 0 : i32
      %dma_start3A_45 = tpu.memref_slice %arg9[%add3A_20, %dma_start3A_44] : memref<10240x48xf32, #tpu.memory_space<vmem_shared>> -> memref<128x48xf32, #tpu.memory_space<vmem_shared>>
      %dma_start3A_46 = arith.constant 0 : i32
      %dma_start3A_47 = tpu.memref_slice %arg9[%add3A_20, %dma_start3A_46] : memref<10240x48xf32, #tpu.memory_space<vmem_shared>> -> memref<128x48xf32, #tpu.memory_space<vmem_shared>>
      %dma_start3A_48 = arith.constant 0 : i32
      %dma_start3A_49 = arith.constant 0 : i32
      %dma_start3A_50 = tpu.memref_slice %arg8[%run_scoped3A_21, %dma_start3A_48, %dma_start3A_49] : memref<2x128x48xf32, #tpu.memory_space<vmem>> -> memref<1x128x48xf32, #tpu.memory_space<vmem>>
      %dma_start3A_51 = tpu.memref_squeeze %dma_start3A_50 : memref<1x128x48xf32, #tpu.memory_space<vmem>> -> memref<128x48xf32, #tpu.memory_space<vmem>>
      tpu.enqueue_dma source(%dma_start3A_51 : memref<128x48xf32, #tpu.memory_space<vmem>>) target(%dma_start3A_47 : memref<128x48xf32, #tpu.memory_space<vmem_shared>>) target_semaphore(%run_scoped3A_39 : memref<!tpu.dma_semaphore, #tpu.memory_space<semaphore_mem>>)
      %dma_wait3A = arith.constant 0 : i32
      %dma_wait3A_52 = arith.constant 0 : i32
      %dma_wait3A_53 = tpu.memref_slice %arg8[%run_scoped3A_21, %dma_wait3A, %dma_wait3A_52] : memref<2x128x48xf32, #tpu.memory_space<vmem>> -> memref<1x128x48xf32, #tpu.memory_space<vmem>>
      %dma_wait3A_54 = tpu.memref_squeeze %dma_wait3A_53 : memref<1x128x48xf32, #tpu.memory_space<vmem>> -> memref<128x48xf32, #tpu.memory_space<vmem>>
      %dma_wait3A_55 = arith.constant 0 : i32
      %dma_wait3A_56 = tpu.memref_slice %arg9[%add3A_20, %dma_wait3A_55] : memref<10240x48xf32, #tpu.memory_space<vmem_shared>> -> memref<128x48xf32, #tpu.memory_space<vmem_shared>>
      %dma_wait3A_57 = arith.constant 0 : i32
      %dma_wait3A_58 = tpu.memref_slice %arg9[%add3A_20, %dma_wait3A_57] : memref<10240x48xf32, #tpu.memory_space<vmem_shared>> -> memref<128x48xf32, #tpu.memory_space<vmem_shared>>
      %dma_wait3A_59 = arith.constant 0 : i32
      %dma_wait3A_60 = arith.constant 0 : i32
      %dma_wait3A_61 = tpu.memref_slice %arg8[%run_scoped3A_21, %dma_wait3A_59, %dma_wait3A_60] : memref<2x128x48xf32, #tpu.memory_space<vmem>> -> memref<1x128x48xf32, #tpu.memory_space<vmem>>
      %dma_wait3A_62 = tpu.memref_squeeze %dma_wait3A_61 : memref<1x128x48xf32, #tpu.memory_space<vmem>> -> memref<128x48xf32, #tpu.memory_space<vmem>>
      tpu.wait_dma2 semaphore(%run_scoped3A_39 : memref<!tpu.dma_semaphore, #tpu.memory_space<semaphore_mem>>) src(%dma_wait3A_62 : memref<128x48xf32, #tpu.memory_space<vmem>>) dst(%dma_wait3A_58 : memref<128x48xf32, #tpu.memory_space<vmem_shared>>)
      tpu.yield
    }) : () -> ()
    %barrier3A = arith.constant 0 : index
    tpu.barrier barrier_id(%barrier3A)
    %dma_start3A = arith.constant 0 : i32
    %dma_start3A_22 = arith.constant 0 : i32
    %dma_start3A_23 = arith.constant 0 : i32
    %dma_start3A_24 = arith.constant 0 : i32
    %dma_start3A_25 = tpu.memref_slice %arg8[%dma_start3A_22, %dma_start3A_23, %dma_start3A_24] : memref<2x128x48xf32, #tpu.memory_space<vmem>> -> memref<1x128x48xf32, #tpu.memory_space<vmem>>
    %dma_start3A_26 = tpu.memref_squeeze %dma_start3A_25 : memref<1x128x48xf32, #tpu.memory_space<vmem>> -> memref<128x48xf32, #tpu.memory_space<vmem>>
    %dma_start3A_27 = arith.constant 0 : i32
    %dma_start3A_28 = tpu.memref_slice %arg6[%dma_start3A, %dma_start3A_27] : memref<79x128xi32, #tpu.memory_space<vmem>> -> memref<1x128xi32, #tpu.memory_space<vmem>>
    %dma_start3A_29 = tpu.memref_squeeze %dma_start3A_28 : memref<1x128xi32, #tpu.memory_space<vmem>> -> memref<128xi32, #tpu.memory_space<vmem>>
    %dma_start3A_30 = arith.constant 0 : i32
    %dma_start3A_31 = arith.constant 0 : i32
    %dma_start3A_32 = tpu.memref_slice %arg2[%dma_start3A_30, %dma_start3A_31] : memref<10000x48xf32, #tpu.memory_space<hbm>> -> memref<10000x48xf32, #tpu.memory_space<hbm>>
    tpu.enqueue_indirect_dma source(%dma_start3A_32 : memref<10000x48xf32, #tpu.memory_space<hbm>>) target(%dma_start3A_26 : memref<128x48xf32, #tpu.memory_space<vmem>>) offsets(%dma_start3A_29 : memref<128xi32, #tpu.memory_space<vmem>>) semaphore(%arg10 : memref<!tpu.dma_semaphore, #tpu.memory_space<semaphore_mem>>)
    %scan3A_33 = arith.constant 0 : i32
    %scan3A_34 = arith.constant 40 : i32
    %scan3A_35 = arith.addi %scan3A_33, %scan3A_34 : i32
    %scan3A_36 = arith.constant 1 : i32
    scf.for %scan3A_39 = %scan3A_33 to %scan3A_35 step %scan3A_36  : i32 {
      %mul3A_40 = arith.constant 2 : i32
      %mul3A_41 = arith.muli %mul3A_40, %scan3A_39 : i32
      %mul3A_42 = arith.constant 2 : i32
      %mul3A_43 = arith.muli %mul3A_42, %scan3A_39 : i32
      %add3A_44 = arith.constant 1 : i32
      %add3A_45 = arith.addi %mul3A_43, %add3A_44 : i32
      %mul3A_46 = arith.constant 2 : i32
      %mul3A_47 = arith.muli %mul3A_46, %scan3A_39 : i32
      %add3A_48 = arith.constant 2 : i32
      %add3A_49 = arith.addi %mul3A_47, %add3A_48 : i32
      %lt3A = arith.constant 79 : i32
      %lt3A_50 = arith.cmpi slt, %add3A_45, %lt3A : i32
      %convert_element_type3A = arith.extui %lt3A_50 : i1 to i32
      %cond3A = arith.constant 0 : i32
      %cond3A_51 = arith.cmpi ne, %convert_element_type3A, %cond3A : i32
      scf.if %cond3A_51 {
        %dma_start3A_73 = arith.constant 1 : i32
        %dma_start3A_74 = arith.constant 0 : i32
        %dma_start3A_75 = arith.constant 0 : i32
        %dma_start3A_76 = tpu.memref_slice %arg8[%dma_start3A_73, %dma_start3A_74, %dma_start3A_75] : memref<2x128x48xf32, #tpu.memory_space<vmem>> -> memref<1x128x48xf32, #tpu.memory_space<vmem>>
        %dma_start3A_77 = tpu.memref_squeeze %dma_start3A_76 : memref<1x128x48xf32, #tpu.memory_space<vmem>> -> memref<128x48xf32, #tpu.memory_space<vmem>>
        %dma_start3A_78 = arith.constant 0 : i32
        %dma_start3A_79 = tpu.memref_slice %arg6[%add3A_45, %dma_start3A_78] : memref<79x128xi32, #tpu.memory_space<vmem>> -> memref<1x128xi32, #tpu.memory_space<vmem>>
        %dma_start3A_80 = tpu.memref_squeeze %dma_start3A_79 : memref<1x128xi32, #tpu.memory_space<vmem>> -> memref<128xi32, #tpu.memory_space<vmem>>
        %dma_start3A_81 = arith.constant 0 : i32
        %dma_start3A_82 = arith.constant 0 : i32
        %dma_start3A_83 = tpu.memref_slice %arg2[%dma_start3A_81, %dma_start3A_82] : memref<10000x48xf32, #tpu.memory_space<hbm>> -> memref<10000x48xf32, #tpu.memory_space<hbm>>
        tpu.enqueue_indirect_dma source(%dma_start3A_83 : memref<10000x48xf32, #tpu.memory_space<hbm>>) target(%dma_start3A_77 : memref<128x48xf32, #tpu.memory_space<vmem>>) offsets(%dma_start3A_80 : memref<128xi32, #tpu.memory_space<vmem>>) semaphore(%arg11 : memref<!tpu.dma_semaphore, #tpu.memory_space<semaphore_mem>>)
      } else {
      }
      %dma_wait3A = arith.constant 0 : i32
      %dma_wait3A_52 = arith.constant 0 : i32
      %dma_wait3A_53 = arith.constant 0 : i32
      %dma_wait3A_54 = tpu.memref_slice %arg8[%dma_wait3A, %dma_wait3A_52, %dma_wait3A_53] : memref<2x128x48xf32, #tpu.memory_space<vmem>> -> memref<1x128x48xf32, #tpu.memory_space<vmem>>
      %dma_wait3A_55 = tpu.memref_squeeze %dma_wait3A_54 : memref<1x128x48xf32, #tpu.memory_space<vmem>> -> memref<128x48xf32, #tpu.memory_space<vmem>>
      %dma_wait3A_56 = arith.constant 0 : i32
      %dma_wait3A_57 = tpu.memref_slice %arg6[%mul3A_41, %dma_wait3A_56] : memref<79x128xi32, #tpu.memory_space<vmem>> -> memref<1x128xi32, #tpu.memory_space<vmem>>
      %dma_wait3A_58 = tpu.memref_squeeze %dma_wait3A_57 : memref<1x128xi32, #tpu.memory_space<vmem>> -> memref<128xi32, #tpu.memory_space<vmem>>
      %dma_wait3A_59 = arith.constant 0 : i32
      %dma_wait3A_60 = arith.constant 0 : i32
      %dma_wait3A_61 = tpu.memref_slice %arg2[%dma_wait3A_59, %dma_wait3A_60] : memref<10000x48xf32, #tpu.memory_space<hbm>> -> memref<10000x48xf32, #tpu.memory_space<hbm>>
      tpu.wait_indirect_dma semaphore(%arg10 : memref<!tpu.dma_semaphore, #tpu.memory_space<semaphore_mem>>) src(%dma_wait3A_61 : memref<10000x48xf32, #tpu.memory_space<hbm>>) dst(%dma_wait3A_55 : memref<128x48xf32, #tpu.memory_space<vmem>>)
      %run_scoped3A_62 = arith.constant 0 : i32
      "tpu.region"() ({
        %run_scoped3A_73 = tpu.sem_alloc : memref<!tpu.dma_semaphore, #tpu.memory_space<semaphore_mem>>
        %dma_start3A_74 = arith.constant 0 : i32
        %dma_start3A_75 = arith.constant 0 : i32
        %dma_start3A_76 = tpu.memref_slice %arg8[%run_scoped3A_62, %dma_start3A_74, %dma_start3A_75] : memref<2x128x48xf32, #tpu.memory_space<vmem>> -> memref<1x128x48xf32, #tpu.memory_space<vmem>>
        %dma_start3A_77 = tpu.memref_squeeze %dma_start3A_76 : memref<1x128x48xf32, #tpu.memory_space<vmem>> -> memref<128x48xf32, #tpu.memory_space<vmem>>
        %dma_start3A_78 = arith.constant 0 : i32
        %dma_start3A_79 = tpu.memref_slice %arg7[%mul3A_41, %dma_start3A_78] : memref<79x128xi32, #tpu.memory_space<vmem>> -> memref<1x128xi32, #tpu.memory_space<vmem>>
        %dma_start3A_80 = tpu.memref_squeeze %dma_start3A_79 : memref<1x128xi32, #tpu.memory_space<vmem>> -> memref<128xi32, #tpu.memory_space<vmem>>
        %dma_start3A_81 = arith.constant 0 : i32
        %dma_start3A_82 = arith.constant 0 : i32
        %dma_start3A_83 = tpu.memref_slice %arg9[%dma_start3A_81, %dma_start3A_82] : memref<10240x48xf32, #tpu.memory_space<vmem_shared>> -> memref<10240x48xf32, #tpu.memory_space<vmem_shared>>
        tpu.enqueue_indirect_dma source(%dma_start3A_77 : memref<128x48xf32, #tpu.memory_space<vmem>>) target(%dma_start3A_83 : memref<10240x48xf32, #tpu.memory_space<vmem_shared>>) offsets(%dma_start3A_80 : memref<128xi32, #tpu.memory_space<vmem>>) semaphore(%run_scoped3A_73 : memref<!tpu.dma_semaphore, #tpu.memory_space<semaphore_mem>>) {add = true}
        %dma_wait3A_84 = arith.constant 0 : i32
        %dma_wait3A_85 = arith.constant 0 : i32
        %dma_wait3A_86 = tpu.memref_slice %arg8[%run_scoped3A_62, %dma_wait3A_84, %dma_wait3A_85] : memref<2x128x48xf32, #tpu.memory_space<vmem>> -> memref<1x128x48xf32, #tpu.memory_space<vmem>>
        %dma_wait3A_87 = tpu.memref_squeeze %dma_wait3A_86 : memref<1x128x48xf32, #tpu.memory_space<vmem>> -> memref<128x48xf32, #tpu.memory_space<vmem>>
        %dma_wait3A_88 = arith.constant 0 : i32
        %dma_wait3A_89 = tpu.memref_slice %arg7[%mul3A_41, %dma_wait3A_88] : memref<79x128xi32, #tpu.memory_space<vmem>> -> memref<1x128xi32, #tpu.memory_space<vmem>>
        %dma_wait3A_90 = tpu.memref_squeeze %dma_wait3A_89 : memref<1x128xi32, #tpu.memory_space<vmem>> -> memref<128xi32, #tpu.memory_space<vmem>>
        %dma_wait3A_91 = arith.constant 0 : i32
        %dma_wait3A_92 = arith.constant 0 : i32
        %dma_wait3A_93 = tpu.memref_slice %arg9[%dma_wait3A_91, %dma_wait3A_92] : memref<10240x48xf32, #tpu.memory_space<vmem_shared>> -> memref<10240x48xf32, #tpu.memory_space<vmem_shared>>
        tpu.wait_indirect_dma semaphore(%run_scoped3A_73 : memref<!tpu.dma_semaphore, #tpu.memory_space<semaphore_mem>>) src(%dma_wait3A_87 : memref<128x48xf32, #tpu.memory_space<vmem>>) dst(%dma_wait3A_93 : memref<10240x48xf32, #tpu.memory_space<vmem_shared>>)
        tpu.yield
      }) : () -> ()
      %lt3A_63 = arith.constant 79 : i32
      %lt3A_64 = arith.cmpi slt, %add3A_49, %lt3A_63 : i32
      %convert_element_type3A_65 = arith.extui %lt3A_64 : i1 to i32
      %cond3A_66 = arith.constant 0 : i32
      %cond3A_67 = arith.cmpi ne, %convert_element_type3A_65, %cond3A_66 : i32
      scf.if %cond3A_67 {
        %dma_start3A_73 = arith.constant 0 : i32
        %dma_start3A_74 = arith.constant 0 : i32
        %dma_start3A_75 = arith.constant 0 : i32
        %dma_start3A_76 = tpu.memref_slice %arg8[%dma_start3A_73, %dma_start3A_74, %dma_start3A_75] : memref<2x128x48xf32, #tpu.memory_space<vmem>> -> memref<1x128x48xf32, #tpu.memory_space<vmem>>
        %dma_start3A_77 = tpu.memref_squeeze %dma_start3A_76 : memref<1x128x48xf32, #tpu.memory_space<vmem>> -> memref<128x48xf32, #tpu.memory_space<vmem>>
        %dma_start3A_78 = arith.constant 0 : i32
        %dma_start3A_79 = tpu.memref_slice %arg6[%add3A_49, %dma_start3A_78] : memref<79x128xi32, #tpu.memory_space<vmem>> -> memref<1x128xi32, #tpu.memory_space<vmem>>
        %dma_start3A_80 = tpu.memref_squeeze %dma_start3A_79 : memref<1x128xi32, #tpu.memory_space<vmem>> -> memref<128xi32, #tpu.memory_space<vmem>>
        %dma_start3A_81 = arith.constant 0 : i32
        %dma_start3A_82 = arith.constant 0 : i32
        %dma_start3A_83 = tpu.memref_slice %arg2[%dma_start3A_81, %dma_start3A_82] : memref<10000x48xf32, #tpu.memory_space<hbm>> -> memref<10000x48xf32, #tpu.memory_space<hbm>>
        tpu.enqueue_indirect_dma source(%dma_start3A_83 : memref<10000x48xf32, #tpu.memory_space<hbm>>) target(%dma_start3A_77 : memref<128x48xf32, #tpu.memory_space<vmem>>) offsets(%dma_start3A_80 : memref<128xi32, #tpu.memory_space<vmem>>) semaphore(%arg10 : memref<!tpu.dma_semaphore, #tpu.memory_space<semaphore_mem>>)
      } else {
      }
      %lt3A_68 = arith.constant 79 : i32
      %lt3A_69 = arith.cmpi slt, %add3A_45, %lt3A_68 : i32
      %convert_element_type3A_70 = arith.extui %lt3A_69 : i1 to i32
      %cond3A_71 = arith.constant 0 : i32
      %cond3A_72 = arith.cmpi ne, %convert_element_type3A_70, %cond3A_71 : i32
      scf.if %cond3A_72 {
        %dma_wait3A_73 = arith.constant 1 : i32
        %dma_wait3A_74 = arith.constant 0 : i32
        %dma_wait3A_75 = arith.constant 0 : i32
        %dma_wait3A_76 = tpu.memref_slice %arg8[%dma_wait3A_73, %dma_wait3A_74, %dma_wait3A_75] : memref<2x128x48xf32, #tpu.memory_space<vmem>> -> memref<1x128x48xf32, #tpu.memory_space<vmem>>
        %dma_wait3A_77 = tpu.memref_squeeze %dma_wait3A_76 : memref<1x128x48xf32, #tpu.memory_space<vmem>> -> memref<128x48xf32, #tpu.memory_space<vmem>>
        %dma_wait3A_78 = arith.constant 0 : i32
        %dma_wait3A_79 = tpu.memref_slice %arg6[%add3A_45, %dma_wait3A_78] : memref<79x128xi32, #tpu.memory_space<vmem>> -> memref<1x128xi32, #tpu.memory_space<vmem>>
        %dma_wait3A_80 = tpu.memref_squeeze %dma_wait3A_79 : memref<1x128xi32, #tpu.memory_space<vmem>> -> memref<128xi32, #tpu.memory_space<vmem>>
        %dma_wait3A_81 = arith.constant 0 : i32
        %dma_wait3A_82 = arith.constant 0 : i32
        %dma_wait3A_83 = tpu.memref_slice %arg2[%dma_wait3A_81, %dma_wait3A_82] : memref<10000x48xf32, #tpu.memory_space<hbm>> -> memref<10000x48xf32, #tpu.memory_space<hbm>>
        tpu.wait_indirect_dma semaphore(%arg11 : memref<!tpu.dma_semaphore, #tpu.memory_space<semaphore_mem>>) src(%dma_wait3A_83 : memref<10000x48xf32, #tpu.memory_space<hbm>>) dst(%dma_wait3A_77 : memref<128x48xf32, #tpu.memory_space<vmem>>)
        %run_scoped3A_84 = arith.constant 1 : i32
        "tpu.region"() ({
          %run_scoped3A_85 = tpu.sem_alloc : memref<!tpu.dma_semaphore, #tpu.memory_space<semaphore_mem>>
          %dma_start3A_86 = arith.constant 0 : i32
          %dma_start3A_87 = arith.constant 0 : i32
          %dma_start3A_88 = tpu.memref_slice %arg8[%run_scoped3A_84, %dma_start3A_86, %dma_start3A_87] : memref<2x128x48xf32, #tpu.memory_space<vmem>> -> memref<1x128x48xf32, #tpu.memory_space<vmem>>
          %dma_start3A_89 = tpu.memref_squeeze %dma_start3A_88 : memref<1x128x48xf32, #tpu.memory_space<vmem>> -> memref<128x48xf32, #tpu.memory_space<vmem>>
          %dma_start3A_90 = arith.constant 0 : i32
          %dma_start3A_91 = tpu.memref_slice %arg7[%add3A_45, %dma_start3A_90] : memref<79x128xi32, #tpu.memory_space<vmem>> -> memref<1x128xi32, #tpu.memory_space<vmem>>
          %dma_start3A_92 = tpu.memref_squeeze %dma_start3A_91 : memref<1x128xi32, #tpu.memory_space<vmem>> -> memref<128xi32, #tpu.memory_space<vmem>>
          %dma_start3A_93 = arith.constant 0 : i32
          %dma_start3A_94 = arith.constant 0 : i32
          %dma_start3A_95 = tpu.memref_slice %arg9[%dma_start3A_93, %dma_start3A_94] : memref<10240x48xf32, #tpu.memory_space<vmem_shared>> -> memref<10240x48xf32, #tpu.memory_space<vmem_shared>>
          tpu.enqueue_indirect_dma source(%dma_start3A_89 : memref<128x48xf32, #tpu.memory_space<vmem>>) target(%dma_start3A_95 : memref<10240x48xf32, #tpu.memory_space<vmem_shared>>) offsets(%dma_start3A_92 : memref<128xi32, #tpu.memory_space<vmem>>) semaphore(%run_scoped3A_85 : memref<!tpu.dma_semaphore, #tpu.memory_space<semaphore_mem>>) {add = true}
          %dma_wait3A_96 = arith.constant 0 : i32
          %dma_wait3A_97 = arith.constant 0 : i32
          %dma_wait3A_98 = tpu.memref_slice %arg8[%run_scoped3A_84, %dma_wait3A_96, %dma_wait3A_97] : memref<2x128x48xf32, #tpu.memory_space<vmem>> -> memref<1x128x48xf32, #tpu.memory_space<vmem>>
          %dma_wait3A_99 = tpu.memref_squeeze %dma_wait3A_98 : memref<1x128x48xf32, #tpu.memory_space<vmem>> -> memref<128x48xf32, #tpu.memory_space<vmem>>
          %dma_wait3A_100 = arith.constant 0 : i32
          %dma_wait3A_101 = tpu.memref_slice %arg7[%add3A_45, %dma_wait3A_100] : memref<79x128xi32, #tpu.memory_space<vmem>> -> memref<1x128xi32, #tpu.memory_space<vmem>>
          %dma_wait3A_102 = tpu.memref_squeeze %dma_wait3A_101 : memref<1x128xi32, #tpu.memory_space<vmem>> -> memref<128xi32, #tpu.memory_space<vmem>>
          %dma_wait3A_103 = arith.constant 0 : i32
          %dma_wait3A_104 = arith.constant 0 : i32
          %dma_wait3A_105 = tpu.memref_slice %arg9[%dma_wait3A_103, %dma_wait3A_104] : memref<10240x48xf32, #tpu.memory_space<vmem_shared>> -> memref<10240x48xf32, #tpu.memory_space<vmem_shared>>
          tpu.wait_indirect_dma semaphore(%run_scoped3A_85 : memref<!tpu.dma_semaphore, #tpu.memory_space<semaphore_mem>>) src(%dma_wait3A_99 : memref<128x48xf32, #tpu.memory_space<vmem>>) dst(%dma_wait3A_105 : memref<10240x48xf32, #tpu.memory_space<vmem_shared>>)
          tpu.yield
        }) : () -> ()
      } else {
      }
    }
    %scan3A_37 = arith.constant 40 : i32
    %barrier3A_38 = arith.constant 0 : index
    tpu.barrier barrier_id(%barrier3A_38)
    "tpu.region"() ({
      %run_scoped3A_39 = tpu.sem_alloc : memref<!tpu.dma_semaphore, #tpu.memory_space<semaphore_mem>>
      %dma_start3A_40 = arith.constant 0 : i32
      %dma_start3A_41 = tpu.memref_slice %arg5[%arg0, %mul3A_7, %dma_start3A_40] : memref<2x10240x48xf32, #tpu.memory_space<hbm>> -> memref<1x640x48xf32, #tpu.memory_space<hbm>>
      %dma_start3A_42 = tpu.memref_squeeze %dma_start3A_41 : memref<1x640x48xf32, #tpu.memory_space<hbm>> -> memref<640x48xf32, #tpu.memory_space<hbm>>
      %dma_start3A_43 = arith.constant 0 : i32
      %dma_start3A_44 = tpu.memref_slice %arg9[%mul3A_7, %dma_start3A_43] : memref<10240x48xf32, #tpu.memory_space<vmem_shared>> -> memref<640x48xf32, #tpu.memory_space<vmem_shared>>
      tpu.enqueue_dma source(%dma_start3A_44 : memref<640x48xf32, #tpu.memory_space<vmem_shared>>) target(%dma_start3A_42 : memref<640x48xf32, #tpu.memory_space<hbm>>) target_semaphore(%run_scoped3A_39 : memref<!tpu.dma_semaphore, #tpu.memory_space<semaphore_mem>>)
      %dma_wait3A = arith.constant 0 : i32
      %dma_wait3A_45 = tpu.memref_slice %arg5[%arg0, %mul3A_7, %dma_wait3A] : memref<2x10240x48xf32, #tpu.memory_space<hbm>> -> memref<1x640x48xf32, #tpu.memory_space<hbm>>
      %dma_wait3A_46 = tpu.memref_squeeze %dma_wait3A_45 : memref<1x640x48xf32, #tpu.memory_space<hbm>> -> memref<640x48xf32, #tpu.memory_space<hbm>>
      %dma_wait3A_47 = arith.constant 0 : i32
      %dma_wait3A_48 = tpu.memref_slice %arg9[%mul3A_7, %dma_wait3A_47] : memref<10240x48xf32, #tpu.memory_space<vmem_shared>> -> memref<640x48xf32, #tpu.memory_space<vmem_shared>>
      tpu.wait_dma2 semaphore(%run_scoped3A_39 : memref<!tpu.dma_semaphore, #tpu.memory_space<semaphore_mem>>) src(%dma_wait3A_48 : memref<640x48xf32, #tpu.memory_space<vmem_shared>>) dst(%dma_wait3A_46 : memref<640x48xf32, #tpu.memory_space<hbm>>)
      tpu.yield
    }) : () -> ()
    return
  }
}

module attributes {stable_mosaic.version = 14 : i64} {
  func.func @body(%arg0: i32, %arg1: memref<1000x128xf32, #tpu.memory_space<vmem>>, %arg2: memref<128x64xf32, #tpu.memory_space<vmem>>, %arg3: memref<1000x64xf32, #tpu.memory_space<vmem>>) attributes {dimension_semantics = [#tpu.dimension_semantics<arbitrary>], iteration_bounds = array<i64: 10>, scalar_prefetch = 0 : i64, scratch_operands = 0 : i64, tpu.core_type = #tpu.core_type<tc>, window_params = [{transform_indices = @transform_0, window_bounds = array<i64: 1000, 128>}, {pipeline_mode = #tpu.pipeline_mode<synchronous>, transform_indices = @transform_1, window_bounds = array<i64: 128, 64>}, {transform_indices = @transform_2, window_bounds = array<i64: 1000, 64>}]} {
    %get3A = arith.constant 0 : index
    %get3A_0 = arith.constant 0 : index
    %get3A_1 = vector.load %arg1[%get3A, %get3A_0] : memref<1000x128xf32, #tpu.memory_space<vmem>>, vector<1000x128xf32>
    %get3A_2 = arith.constant 0 : index
    %get3A_3 = arith.constant 0 : index
    %get3A_4 = vector.load %arg2[%get3A_2, %get3A_3] : memref<128x64xf32, #tpu.memory_space<vmem>>, vector<128x64xf32>
    %dot_general3A = arith.constant dense<0.000000e+00> : vector<1000x64xf32>
    %dot_general3A_5 = tpu.matmul %get3A_1, %get3A_4, %dot_general3A {dimension_numbers = #tpu.dot_dimension_numbers<[1], [0], [0], [1], [0, 0, 1, 1], [], []>, precision = #tpu.contract_precision<fp32>, transpose_lhs_hint = false} : vector<1000x128xf32>, vector<128x64xf32>, vector<1000x64xf32> -> vector<1000x64xf32>
    %swap3A = arith.constant 0 : index
    %swap3A_6 = arith.constant 0 : index
    %swap3A_7 = vector.load %arg3[%swap3A, %swap3A_6] : memref<1000x64xf32, #tpu.memory_space<vmem>>, vector<1000x64xf32>
    tpu.vector_store %arg3[%swap3A, %swap3A_6], %dot_general3A_5 {strides = array<i32>} : memref<1000x64xf32, #tpu.memory_space<vmem>>, vector<1000x64xf32>,
    return
  }
  func.func @transform_0(%arg0: i32) -> (i32, i32) {
    %c0_i32 = arith.constant 0 : i32
    %c0_i32_0 = arith.constant 0 : i32
    return %arg0, %c0_i32 : i32, i32
  }
  func.func @transform_1(%arg0: i32) -> (i32, i32) {
    %c0_i32 = arith.constant 0 : i32
    %c0_i32_0 = arith.constant 0 : i32
    %c0_i32_1 = arith.constant 0 : i32
    return %c0_i32, %c0_i32_0 : i32, i32
  }
  func.func @transform_2(%arg0: i32) -> (i32, i32) {
    %c0_i32 = arith.constant 0 : i32
    %c0_i32_0 = arith.constant 0 : i32
    return %arg0, %c0_i32 : i32, i32
  }
}

module attributes {stable_mosaic.version = 14 : i64} {
  func.func @body(%arg0: memref<32x2x10112xf32, #tpu.memory_space<vmem>>, %arg1: memref<10000x64xf32, #tpu.memory_space<vmem>>, %arg2: memref<10112x2xf32, #tpu.memory_space<vmem>>, %arg3: memref<10000x64xf32, #tpu.memory_space<vmem>>) attributes {dimension_semantics = [], scalar_prefetch = 0 : i64, scratch_operands = 0 : i64, tpu.core_type = #tpu.core_type<tc>} {
    %get3A = arith.constant 0 : index
    %get3A_0 = arith.constant 0 : index
    %get3A_1 = arith.constant 0 : index
    %get3A_2 = vector.load %arg0[%get3A, %get3A_0, %get3A_1] : memref<32x2x10112xf32, #tpu.memory_space<vmem>>, vector<32x2x10112xf32>
    %reduce_sum3A = arith.constant dense<0.000000e+00> : vector<2x10112xf32>
    %reduce_sum3A_3 = vector.multi_reduction <add>, %get3A_2, %reduce_sum3A [0] : vector<32x2x10112xf32> to vector<2x10112xf32>
    %max3A = arith.constant 1.000000e+00 : f32
    %max3A_4 = vector.broadcast %max3A : f32 to vector<2x10112xf32>
    %max3A_5 = arith.maximumf %reduce_sum3A_3, %max3A_4 : vector<2x10112xf32>
    %rsqrt3A = math.rsqrt %max3A_5 : vector<2x10112xf32>
    %transpose3A = tpu.transpose %rsqrt3A, [1, 0] : vector<2x10112xf32> -> vector<10112x2xf32>
    %swap3A = arith.constant 0 : index
    %swap3A_6 = arith.constant 0 : index
    %swap3A_7 = vector.load %arg2[%swap3A, %swap3A_6] : memref<10112x2xf32, #tpu.memory_space<vmem>>, vector<10112x2xf32>
    tpu.vector_store %arg2[%swap3A, %swap3A_6], %transpose3A {strides = array<i32>} : memref<10112x2xf32, #tpu.memory_space<vmem>>, vector<10112x2xf32>,
    %get3A_8 = arith.constant 0 : index
    %get3A_9 = arith.constant 0 : index
    %get3A_10 = vector.load %arg1[%get3A_8, %get3A_9] : memref<10000x64xf32, #tpu.memory_space<vmem>>, vector<10000x64xf32>
    %slice3A = vector.extract_strided_slice %transpose3A {offsets = [0, 0], sizes = [10000, 1], strides = [1, 1]} : vector<10112x2xf32> to vector<10000x1xf32>
    %mul3A = vector.broadcast %slice3A : vector<10000x1xf32> to vector<10000x64xf32>
    %mul3A_11 = arith.mulf %get3A_10, %mul3A : vector<10000x64xf32>
    %swap3A_12 = arith.constant 0 : index
    %swap3A_13 = arith.constant 0 : index
    %swap3A_14 = vector.load %arg3[%swap3A_12, %swap3A_13] : memref<10000x64xf32, #tpu.memory_space<vmem>>, vector<10000x64xf32>
    tpu.vector_store %arg3[%swap3A_12, %swap3A_13], %mul3A_11 {strides = array<i32>} : memref<10000x64xf32, #tpu.memory_space<vmem>>, vector<10000x64xf32>,
    return
  }
}

module attributes {stable_mosaic.version = 14 : i64} {
  func.func @body(%arg0: i32, %arg1: memref<2x1000x64xf32, #tpu.memory_space<vmem>>, %arg2: memref<1000x2xf32, #tpu.memory_space<vmem>>, %arg3: memref<1x64xf32, #tpu.memory_space<vmem>>, %arg4: memref<64x48xf32, #tpu.memory_space<vmem>>, %arg5: memref<1000x48xf32, #tpu.memory_space<vmem>>) attributes {dimension_semantics = [#tpu.dimension_semantics<arbitrary>], iteration_bounds = array<i64: 10>, scalar_prefetch = 0 : i64, scratch_operands = 0 : i64, tpu.core_type = #tpu.core_type<tc>, window_params = [{transform_indices = @transform_0, window_bounds = array<i64: 2, 1000, 64>}, {transform_indices = @transform_1, window_bounds = array<i64: 1000, 2>}, {pipeline_mode = #tpu.pipeline_mode<synchronous>, transform_indices = @transform_2, window_bounds = array<i64: 1, 64>}, {pipeline_mode = #tpu.pipeline_mode<synchronous>, transform_indices = @transform_3, window_bounds = array<i64: 64, 48>}, {transform_indices = @transform_4, window_bounds = array<i64: 1000, 48>}]} {
    %get3A = arith.constant 0 : index
    %get3A_0 = arith.constant 0 : index
    %get3A_1 = arith.constant 0 : index
    %get3A_2 = vector.load %arg1[%get3A, %get3A_0, %get3A_1] : memref<2x1000x64xf32, #tpu.memory_space<vmem>>, vector<1x1000x64xf32>
    %get3A_3 = vector.shape_cast %get3A_2 : vector<1x1000x64xf32> to vector<1000x64xf32>
    %get3A_4 = arith.constant 1 : index
    %get3A_5 = arith.constant 0 : index
    %get3A_6 = arith.constant 0 : index
    %get3A_7 = vector.load %arg1[%get3A_4, %get3A_5, %get3A_6] : memref<2x1000x64xf32, #tpu.memory_space<vmem>>, vector<1x1000x64xf32>
    %get3A_8 = vector.shape_cast %get3A_7 : vector<1x1000x64xf32> to vector<1000x64xf32>
    %add3A = arith.addf %get3A_3, %get3A_8 : vector<1000x64xf32>
    %get3A_9 = arith.constant 0 : index
    %get3A_10 = arith.constant 1 : index
    %get3A_11 = vector.load %arg2[%get3A_9, %get3A_10] : memref<1000x2xf32, #tpu.memory_space<vmem>>, vector<1000x1xf32>
    %mul3A = vector.broadcast %get3A_11 : vector<1000x1xf32> to vector<1000x64xf32>
    %mul3A_12 = arith.mulf %add3A, %mul3A : vector<1000x64xf32>
    %get3A_13 = arith.constant 0 : index
    %get3A_14 = arith.constant 0 : index
    %get3A_15 = vector.load %arg3[%get3A_13, %get3A_14] : memref<1x64xf32, #tpu.memory_space<vmem>>, vector<1x64xf32>
    %add3A_16 = vector.broadcast %get3A_15 : vector<1x64xf32> to vector<1000x64xf32>
    %add3A_17 = arith.addf %mul3A_12, %add3A_16 : vector<1000x64xf32>
    %max3A = arith.constant 0.000000e+00 : f32
    %max3A_18 = vector.broadcast %max3A : f32 to vector<1000x64xf32>
    %max3A_19 = arith.maximumf %add3A_17, %max3A_18 : vector<1000x64xf32>
    %get3A_20 = arith.constant 0 : index
    %get3A_21 = arith.constant 0 : index
    %get3A_22 = vector.load %arg2[%get3A_20, %get3A_21] : memref<1000x2xf32, #tpu.memory_space<vmem>>, vector<1000x1xf32>
    %mul3A_23 = vector.broadcast %get3A_22 : vector<1000x1xf32> to vector<1000x64xf32>
    %mul3A_24 = arith.mulf %max3A_19, %mul3A_23 : vector<1000x64xf32>
    %get3A_25 = arith.constant 0 : index
    %get3A_26 = arith.constant 0 : index
    %get3A_27 = vector.load %arg4[%get3A_25, %get3A_26] : memref<64x48xf32, #tpu.memory_space<vmem>>, vector<64x48xf32>
    %dot_general3A = arith.constant dense<0.000000e+00> : vector<1000x48xf32>
    %dot_general3A_28 = tpu.matmul %mul3A_24, %get3A_27, %dot_general3A {dimension_numbers = #tpu.dot_dimension_numbers<[1], [0], [0], [1], [0, 0, 1, 1], [], []>, precision = #tpu.contract_precision<fp32>, transpose_lhs_hint = false} : vector<1000x64xf32>, vector<64x48xf32>, vector<1000x48xf32> -> vector<1000x48xf32>
    %swap3A = arith.constant 0 : index
    %swap3A_29 = arith.constant 0 : index
    %swap3A_30 = vector.load %arg5[%swap3A, %swap3A_29] : memref<1000x48xf32, #tpu.memory_space<vmem>>, vector<1000x48xf32>
    tpu.vector_store %arg5[%swap3A, %swap3A_29], %dot_general3A_28 {strides = array<i32>} : memref<1000x48xf32, #tpu.memory_space<vmem>>, vector<1000x48xf32>,
    return
  }
  func.func @transform_0(%arg0: i32) -> (i32, i32, i32) {
    %c0_i32 = arith.constant 0 : i32
    %c0_i32_0 = arith.constant 0 : i32
    %c0_i32_1 = arith.constant 0 : i32
    return %c0_i32, %arg0, %c0_i32_0 : i32, i32, i32
  }
  func.func @transform_1(%arg0: i32) -> (i32, i32) {
    %c0_i32 = arith.constant 0 : i32
    %c0_i32_0 = arith.constant 0 : i32
    return %arg0, %c0_i32 : i32, i32
  }
  func.func @transform_2(%arg0: i32) -> (i32, i32) {
    %c0_i32 = arith.constant 0 : i32
    %c0_i32_0 = arith.constant 0 : i32
    %c0_i32_1 = arith.constant 0 : i32
    return %c0_i32, %c0_i32_0 : i32, i32
  }
  func.func @transform_3(%arg0: i32) -> (i32, i32) {
    %c0_i32 = arith.constant 0 : i32
    %c0_i32_0 = arith.constant 0 : i32
    %c0_i32_1 = arith.constant 0 : i32
    return %c0_i32, %c0_i32_0 : i32, i32
  }
  func.func @transform_4(%arg0: i32) -> (i32, i32) {
    %c0_i32 = arith.constant 0 : i32
    %c0_i32_0 = arith.constant 0 : i32
    return %arg0, %c0_i32 : i32, i32
  }
}

module attributes {stable_mosaic.version = 14 : i64} {
  func.func @body(%arg0: i32, %arg1: memref<2x1000x48xf32, #tpu.memory_space<vmem>>, %arg2: memref<1000x2xf32, #tpu.memory_space<vmem>>, %arg3: memref<1x40xf32, #tpu.memory_space<vmem>>, %arg4: memref<1000x40xf32, #tpu.memory_space<vmem>>) attributes {dimension_semantics = [#tpu.dimension_semantics<arbitrary>], iteration_bounds = array<i64: 10>, scalar_prefetch = 0 : i64, scratch_operands = 0 : i64, tpu.core_type = #tpu.core_type<tc>, window_params = [{transform_indices = @transform_0, window_bounds = array<i64: 2, 1000, 48>}, {transform_indices = @transform_1, window_bounds = array<i64: 1000, 2>}, {pipeline_mode = #tpu.pipeline_mode<synchronous>, transform_indices = @transform_2, window_bounds = array<i64: 1, 40>}, {transform_indices = @transform_3, window_bounds = array<i64: 1000, 40>}]} {
    %get3A = arith.constant 0 : index
    %get3A_0 = arith.constant 0 : index
    %get3A_1 = arith.constant 0 : index
    %get3A_2 = vector.load %arg1[%get3A, %get3A_0, %get3A_1] : memref<2x1000x48xf32, #tpu.memory_space<vmem>>, vector<1x1000x48xf32>
    %get3A_3 = vector.shape_cast %get3A_2 : vector<1x1000x48xf32> to vector<1000x48xf32>
    %get3A_4 = arith.constant 1 : index
    %get3A_5 = arith.constant 0 : index
    %get3A_6 = arith.constant 0 : index
    %get3A_7 = vector.load %arg1[%get3A_4, %get3A_5, %get3A_6] : memref<2x1000x48xf32, #tpu.memory_space<vmem>>, vector<1x1000x48xf32>
    %get3A_8 = vector.shape_cast %get3A_7 : vector<1x1000x48xf32> to vector<1000x48xf32>
    %add3A = arith.addf %get3A_3, %get3A_8 : vector<1000x48xf32>
    %slice3A = vector.extract_strided_slice %add3A {offsets = [0, 0], sizes = [1000, 40], strides = [1, 1]} : vector<1000x48xf32> to vector<1000x40xf32>
    %get3A_9 = arith.constant 0 : index
    %get3A_10 = arith.constant 1 : index
    %get3A_11 = vector.load %arg2[%get3A_9, %get3A_10] : memref<1000x2xf32, #tpu.memory_space<vmem>>, vector<1000x1xf32>
    %mul3A = vector.broadcast %get3A_11 : vector<1000x1xf32> to vector<1000x40xf32>
    %mul3A_12 = arith.mulf %slice3A, %mul3A : vector<1000x40xf32>
    %get3A_13 = arith.constant 0 : index
    %get3A_14 = arith.constant 0 : index
    %get3A_15 = vector.load %arg3[%get3A_13, %get3A_14] : memref<1x40xf32, #tpu.memory_space<vmem>>, vector<1x40xf32>
    %add3A_16 = vector.broadcast %get3A_15 : vector<1x40xf32> to vector<1000x40xf32>
    %add3A_17 = arith.addf %mul3A_12, %add3A_16 : vector<1000x40xf32>
    %swap3A = arith.constant 0 : index
    %swap3A_18 = arith.constant 0 : index
    %swap3A_19 = vector.load %arg4[%swap3A, %swap3A_18] : memref<1000x40xf32, #tpu.memory_space<vmem>>, vector<1000x40xf32>
    tpu.vector_store %arg4[%swap3A, %swap3A_18], %add3A_17 {strides = array<i32>} : memref<1000x40xf32, #tpu.memory_space<vmem>>, vector<1000x40xf32>,
    return
  }
  func.func @transform_0(%arg0: i32) -> (i32, i32, i32) {
    %c0_i32 = arith.constant 0 : i32
    %c0_i32_0 = arith.constant 0 : i32
    %c0_i32_1 = arith.constant 0 : i32
    return %c0_i32, %arg0, %c0_i32_0 : i32, i32, i32
  }
  func.func @transform_1(%arg0: i32) -> (i32, i32) {
    %c0_i32 = arith.constant 0 : i32
    %c0_i32_0 = arith.constant 0 : i32
    return %arg0, %c0_i32 : i32, i32
  }
  func.func @transform_2(%arg0: i32) -> (i32, i32) {
    %c0_i32 = arith.constant 0 : i32
    %c0_i32_0 = arith.constant 0 : i32
    %c0_i32_1 = arith.constant 0 : i32
    return %c0_i32, %c0_i32_0 : i32, i32
  }
  func.func @transform_3(%arg0: i32) -> (i32, i32) {
    %c0_i32 = arith.constant 0 : i32
    %c0_i32_0 = arith.constant 0 : i32
    return %arg0, %c0_i32 : i32, i32
  }
}

</mosaic_0001>

<sc_bundles>
// kernel: kernel.12.cloned.1.call-start
scs
__scs_entry_jumppad:
0x0: {  	(pc) =	sbr.rel $0x88, $3  }
0x1: {  	(tag) =	ssettag $0x0;
	lr =	simm.s32 $0x1  }
0x2: {  	[smem:$0x3F9B] =	sst lr;
	_ =	strace $0xD0000000  }
0x3: {  	_ = 	snop  }
0x4: {  	_ = 	snop  }
0x5: {  	_ = 	snop  }
0x6: {  	_ = 	snop  }
0x7: {  	_ = 	snop  }
__scs_overlays_trampoline_lowered:
0x8: {  	[smem:$0x3FAA] =	sst s0  }
0x9: {  	[smem:$0x3FAB] =	sst s1  }
0xa: {  	[smem:$0x3FAC] =	sst s2  }
0xb: {  	[smem:$0x3FAD] =	sst s3  }
0xc: {  	[smem:$0x3FAE] =	sst s4  }
0xd: {  	[smem:$0x3FAF] =	sst s5  }
0xe: {  	[smem:$0x3FB0] =	sst s6  }
0xf: {  	[smem:$0x3FB1] =	sst s7  }
0x10: {  	[smem:$0x3FB2] =	sst s8  }
0x11: {  	[smem:$0x3FB3] =	sst s9;
	s0 =	simm.s32 @!p0 $0x0  }
0x12: {  	s1 =	sld [smem:$0x3F99];
	s0 =	simm.s32 @p0 $0x1  }
0x13: {  	[smem:$0x3FB4] =	sst s0;
	s0 =	simm.s32 @!p1 $0x0  }
0x14: {  	s2 =	sld [smem:$0x3F98];
	s0 =	simm.s32 @p1 $0x1  }
0x15: {  	[smem:$0x3FB5] =	sst s0;
	s0 =	simm.s32 @!p2 $0x0  }
0x16: {  	s3 =	sld [smem:$0x3FDB];
	s0 =	simm.s32 @p2 $0x1  }
0x17: {  	s4 =	simm.s32 $0x1BF5;
	[smem:$0x3FB7] =	sst s0  }
0x18: {  	s0 =	sld [smem:$0x3F9A];
	_ =	swait.ge [sflag:s4], $0x0  }
0x19: {  	s7 =	sld [smem:$0x3F9B]  }
0x1a: {  	s8 =	sadd.s32 $0xFFFFE003, lr  }
0x1b: {  	s9 =	sadd.s32 $0xFFFFFEF7, lr;
	s5 =	simm.s32 $0xFFFFFFFF;
	p2 =	slt.u32 s8, $0xFFFFF086  }
0x1c: {  	p1 =	slt.u32 s9, $0xF7A;
	s5 =	simm.s32 @!p2 $0x0  }
0x1d: {  	s5 =	simm.s32 @p1 $0x1;
	p0 =	seq.s32 s7, s2  }
0x1e: {  	s7 =	smul.u32 @!p0 $0xF7A, s2;
	p2 =	seq.s32 @!p0 s5, $0x0  }
0x1f: {  	s9 =	smul.u32 $0xF7A, s1;
	s8 =	simm.s32 @!p0 $0x1BF5;
	p2 =	por !p2, p0  }
0x20: {  	[sflag:s8] =	ssyncset.s32 @!p0 $0xFFFFF086;
	s6 =	sadd.s32 @!p0 s3, s7;
	s7 =	simm.s32 @!p0 $0x108  }
0x21: {  	s3 =	sadd.s32 s3, s9;
	s6 =	sadd.s32 @!p0 $0x88, s6;
	s7 =	simm.s32 @p2 $0x1082  }
0x22: {  	[simem:s7], [sflag:s8] =	dma.local @!p0 [hbm:s6], $0xF7A  }
0x23: {  	s9 =	sor.u32 $0xD0000000, s2;
	s6 =	simm.s32 $0x108;
	_ =	swait.ge @!p0 [sflag:s8], $0x0  }
0x24: {  	s3 =	sadd.s32 $0x88, s3;
	s6 =	simm.s32 @!p1 $0x1082;
	[sflag:s4] =	ssyncset.s32 $0xFFFFF086  }
0x25: {  	[simem:s6], [sflag:s4] =	dma.local [hbm:s3], $0xF7A  }
0x26: {  	[smem:$0x3F9B] =	sst s1;
	(tag) =	ssettag s2;
	_ =	strace s9  }
0x27: {  	s1 =	sld [smem:$0x3FAB]  }
0x28: {  	s2 =	sld [smem:$0x3FAC]  }
0x29: {  	s4 =	sld [smem:$0x3FAE]  }
0x2a: {  	p0 =	seq.s32 s5, $0x0;
	s5 =	sld [smem:$0x3FAF]  }
0x2b: {  	s6 =	sld [smem:$0x3FB0]  }
0x2c: {  	s7 =	sld [smem:$0x3FB1]  }
0x2d: {  	s3 =	simm.s32 $0x108;
	s8 =	sld [smem:$0x3FB2]  }
0x2e: {  	s3 =	simm.s32 @!p0 $0x1082;
	s9 =	sld [smem:$0x3FB3]  }
0x2f: {  	lr =	sadd.s32 s0, s3;
	s0 =	sld [smem:$0x3FAA]  }
0x30: {  	s3 =	sld [smem:$0x3FAD]  }
0x31: {  	[smem:$0x3FB6] =	sst s10  }
0x32: {  	s10 =	sld [smem:$0x3FB4];
	_ =	sdelay $0x3  }
0x33: {  	p0 =	seq.s32 s10, $0x1;
	s10 =	sld [smem:$0x3FB6];
	_ =	sdelay $0x3  }
0x34: {  	[smem:$0x3FB6] =	sst s10  }
0x35: {  	s10 =	sld [smem:$0x3FB5];
	_ =	sdelay $0x3  }
0x36: {  	p1 =	seq.s32 s10, $0x1;
	s10 =	sld [smem:$0x3FB6];
	_ =	sdelay $0x3  }
0x37: {  	[smem:$0x3FB6] =	sst s10  }
0x38: {  	s10 =	sld [smem:$0x3FB7]  }
0x39: {  	_ = 	snop;
	(pc) =	sbr.ind lr, $3  }
0x3a: {  	_ = 	snop  }
0x3b: {  	_ = 	snop  }
0x3c: {  	p2 =	seq.s32 s10, $0x1;
	s10 =	sld [smem:$0x3FB6]  }
0x3d: {  	_ =	shalt  }
0x3e: {  	_ =	shalt  }
0x3f: {  	_ =	shalt  }
0x40: {  	_ =	shalt  }
0x41: {  	_ =	shalt  }
0x42: {  	_ =	shalt  }
0x43: {  	_ =	shalt  }
0x44: {  	_ =	shalt  }
0x45: {  	_ =	shalt  }
0x46: {  	_ =	shalt  }
0x47: {  	_ =	shalt  }
0x48: {  	_ =	shalt  }
0x49: {  	_ =	shalt  }
0x4a: {  	_ =	shalt  }
0x4b: {  	_ =	shalt  }
0x4c: {  	_ =	shalt  }
0x4d: {  	_ =	shalt  }
0x4e: {  	_ =	shalt  }
0x4f: {  	_ =	shalt  }
0x50: {  	_ =	shalt  }
0x51: {  	_ =	shalt  }
0x52: {  	_ =	shalt  }
0x53: {  	_ =	shalt  }
0x54: {  	_ =	shalt  }
0x55: {  	_ =	shalt  }
0x56: {  	_ =	shalt  }
0x57: {  	_ =	shalt  }
0x58: {  	_ =	shalt  }
0x59: {  	_ =	shalt  }
0x5a: {  	_ =	shalt  }
0x5b: {  	_ =	shalt  }
0x5c: {  	_ =	shalt  }
0x5d: {  	_ =	shalt  }
0x5e: {  	_ =	shalt  }
0x5f: {  	_ =	shalt  }
0x60: {  	_ =	shalt  }
0x61: {  	_ =	shalt  }
0x62: {  	_ =	shalt  }
0x63: {  	_ =	shalt  }
0x64: {  	_ =	shalt  }
0x65: {  	_ =	shalt  }
0x66: {  	_ =	shalt  }
0x67: {  	_ =	shalt  }
0x68: {  	_ =	shalt  }
0x69: {  	_ =	shalt  }
0x6a: {  	_ =	shalt  }
0x6b: {  	_ =	shalt  }
0x6c: {  	_ =	shalt  }
0x6d: {  	_ =	shalt  }
0x6e: {  	_ =	shalt  }
0x6f: {  	_ =	shalt  }
0x70: {  	_ =	shalt  }
0x71: {  	_ =	shalt  }
0x72: {  	_ =	shalt  }
0x73: {  	_ =	shalt  }
0x74: {  	_ =	shalt  }
0x75: {  	_ =	shalt  }
0x76: {  	_ =	shalt  }
0x77: {  	_ =	shalt  }
0x78: {  	_ =	shalt  }
0x79: {  	_ =	shalt  }
0x7a: {  	_ =	shalt  }
0x7b: {  	_ =	shalt  }
0x7c: {  	_ =	shalt  }
0x7d: {  	_ =	shalt  }
0x7e: {  	_ =	shalt  }
0x7f: {  	_ =	shalt  }
0x80: {  	_ =	shalt  }
0x81: {  	_ =	shalt  }
0x82: {  	_ =	shalt  }
0x83: {  	_ =	shalt  }
0x84: {  	_ =	shalt  }
0x85: {  	_ =	shalt  }
0x86: {  	_ =	shalt  }
0x87: {  	_ =	shalt  }
.Lfunc_end0:
.L_simem_size_0:
called_computation.1_lowered:
.L_overlay_start_0:
0x88: {  	s2 =	sld [smem:$0x3FD9]  }
0x89: {  	s3 =	sld [smem:$0x3FFE];
	_ =	sdelay $0x1  }
0x8a: {  	s1 =	srdreg.scid  }
0x8b: {  	s0 =	sand.u32 $0x1, s1  }
0x8c: {  	s16 =	sshll.u32 s0, $0xA;
	s2 =	sadd.s32 s3, s2  }
0x8d: {  	s2 =	sadd.s32 s2, s16  }
0x8e: {  	[smem:$0x3FC2] =	sst s2  }
0x8f: {  	_ = 	snop  }
0x90: {  	(tm) =	ssettm $0x1  }
0x91: {  	s17 =	sld [smem:$0x3FFB];
	_ =	sdelay $0x3  }
0x92: {  	_ =	strace s17  }
0x93: {  	s2 =	sld [smem:$0x3FFC];
	_ =	sdelay $0x3  }
0x94: {  	_ =	strace s2  }
0x95: {  	s2 =	sld [smem:$0x3FFD];
	_ =	sdelay $0x3  }
0x96: {  	_ =	strace s2  }
0x97: {  	_ =	strace $0x8FFFFFFF  }
0x98: {  	s18 =	sld [smem:$0x3FDB];
	_ =	sdelay $0x1  }
0x99: {  	s19 =	simm.s32 $_scs_section_size  }
0x9a: {  	s4 =	simm.s32 $_size__tile_overlayer_lowered;
	s5 =	simm.s32 $_tile_overlayer_lowered  }
0x9b: {  	s22 =	simm.s32 $0x1BFF;
	s21 =	sshll.u32 s5, $0x1;
	s2 =	sadd.s32 s19, s18  }
0x9c: {  	s6 =	simm.s32 $0x0;
	s20 =	sshll.u32 s4, $0x1;
	s4 =	sadd.s32 s21, s2  }
0x9d: {  	[timem:s6], [sflag:s22] =	dma.local [hbm:s4], s20  }
0x9e: {  	_ =	swait.ge [sflag:s22], s20  }
0x9f: {  	s3 =	ssub.s32 $0x0, s20;
	[sflag:s22] =	ssyncset.done $0x0  }
0xa0: {  	[sflag:s22] =	ssyncadd.s32 s3;
	_ =	sdelay $0x1  }
0xa1: {  	s23 =	simm.s32 $0x1B8B  }
0xa2: {  	_ =	swait.ge [sflag:s23], $0x1  }
0xa3: {  	[sflag:s23] =	ssyncset.done $0x0  }
0xa4: {  	s25 =	simm.s32 $0x1B8E;
	s24 =	sld [smem:$0x3FFE];
	[sflag:s23] =	ssyncadd.s32 $0xFFFFFFFF  }
0xa5: {  	s26 =	simm.s32 $execute0_lowered;
	[smem:$0x3FD2] =	sst s25  }
0xa6: {  	s4 =	sshll.u32 s26, $0x1;
	_ =	strace $0x80000049;
	[dreg:$0x1] =	wrdreg $0xFFFFFFFF  }
0xa7: {  	s28 =	simm.s32 $_size_execute0_lowered;
	s2 =	sadd.s32 s2, s4;
	[dreg:$0x0] =	wrdreg $0x0  }
0xa8: {  	s4 =	sshll.u32 s28, $0x1;
	[dreg:$0x2] =	wrdreg s2  }
0xa9: {  	[dreg:$0x3] =	wrdreg s4  }
0xaa: {  	[dreg:$0x4] =	wrdreg $0xC0  }
0xab: {  	_ =	task [dreg:s6], $0x5FFFF  }
0xac: {  	[dreg:$0x1] =	wrdreg $0xFFFFFFFF  }
0xad: {  	[dreg:$0x0] =	wrdreg $0x60  }
0xae: {  	[dreg:$0x2] =	wrdreg s24  }
0xaf: {  	[dreg:$0x3] =	wrdreg $0x8F000  }
0xb0: {  	[dreg:$0x4] =	wrdreg $0x9  }
0xb1: {  	_ =	task.clear_ibuf [dreg:s6], $0x5FFFF;
	_ =	strace $0x90000049  }
0xb2: {  	s29 =	simm.s32 $0x9;
	_ =	strace $0x8000004B  }
0xb3: {  	_ =	swait.ge [sflag:s29], $0x1  }
0xb4: {  	[sflag:s29] =	ssyncadd.s32 $0xFFFFFFFF  }
0xb5: {  	_ =	strace $0x9000004B  }
0xb6: {  	_ =	sfence  }
0xb7: {  	s30 =	sld [smem:$0x0];
	_ =	sdelay $0x2  }
0xb8: {  	s31 =	sshll.u32 s1, $0xD;
	s1 =	sshrl.u32 s1, $0x2  }
0xb9: {  	s3 =	sand.u32 $0x4000, s31;
	s1 =	sadd.s32 s1, s30  }
0xba: {  	s0 =	sor.u32 s3, s0;
	s1 =	sshll.u32 s1, $0x11  }
0xbb: {  	s0 =	sor.u32 s1, s0  }
0xbc: {  	s0 =	sadd.s32 $0x8F2B, s0  }
0xbd: {  	[sflag:s0] =	ssyncadd.remote.s32 $0x1  }
0xbe: {  	_ =	sfence.sel $0xFFFF  }
0xbf: {  	[dreg:$0x0] =	wrdreg $0xFFFFFFFF;
	(pc) =	sbr.abs _section_cstart, $3  }
0xc0: {  	[dreg:$0x1] =	wrdreg $0xFFFFFFFF  }
0xc1: {  	_ =	task.clear_ibuf [dreg:s6], $0x2FFFF;
	_ =	strace $0x9FFFFFFF  }
0xc2: {  	(tm) =	ssettm $0x7FFFFFFF  }
0xc3: {  	_ =	shalt  }
tec
execute0_lowered:
.L_overlay_start_1:
0x0: {  	(tag) =	ssettag $0x1  }
0x1: {  	s5 =	rddreg [dreg:$0x0]  }
0x2: {  	s2 =	rddreg [dreg:$0x1];
	s3 =	srdreg.scid  }
0x3: {  	s0 =	rddreg [dreg:$0x2];
	s1 =	stileid.u32  }
0x4: {  	s14 =	simm.s32 $0x3;
	s15 =	simm.s32 $0x2780;
	s16 =	simm.s32 $0x4F00  }
0x5: {  	s17 =	simm.s32 $0x80;
	s18 =	simm.s32 $0x6F00;
	s19 =	simm.s32 $0x1  }
0x6: {  	s20 =	simm.s32 $0x4;
	s21 =	simm.s32 $0x2;
	s22 =	simm.s32 $0x4E80  }
0x7: {  	s23 =	simm.s32 $0x0;
	s6 =	sand.u32 $0x1, s3;
	s7 =	smul.u32 $0xA000, s1  }
0x8: {  	s3 =	simm.s32 $0x0;
	s10 =	smul.u32 $0x28000, s1;
	s4 =	sshll.u32 s6, $0x4  }
0x9: {  	[smem:$0x7FF] =	sst s3;
	s8 =	smul.u32 $0xA0000, s6;
	s6 =	ssub.s32 $0x2, s6  }
0xa: {  	s4 =	sor.u32 s1, s4;
	_ =	strace $0x8000004A;
	s30 =	sshrl.u32 s6, $0x1  }
0xb: {  	s31 =	sshrl.u32 s10, $0x2;
	s9 =	smul.u32 $0x4F0, s4;
	s4 =	sadd.s32 $0x1600, s5  }
0xc: {  	s8 =	sadd.s32 s7, s8;
	s13 =	ssub.s32 s6, s30;
	s11 =	sadd.s32 s31, s2  }
0xd: {  	s7 =	sadd.s32 s7, s2;
	s8 =	sshrl.u32 s8, $0x3;
	s10 =	sadd.s32 $0x6000, s11  }
0xe: {  	s13 =	smax.u32 s13, $0x1;
	s9 =	sadd.s32 s9, s5;
	s12 =	sadd.s32 s8, s5  }
0xf: {  	s8 =	sadd.s32 $0x2000, s11;
	s5 =	sadd.s32 $0x29000, s9;
	s6 =	sadd.s32 $0x1F200, s9  }
0x10: {  	v0 =	vimm.f32 $0.0e+00;
	s9 =	sadd.s32 $0x4000, s11;
	s11 =	sadd.s32 $0x8000, s11;
	s12 =	sadd.s32 $0x32E00, s12  }
.LBB2_1:
0x11: {  	[tilespmem:s3], [sflag:$0x3] =	stream.linear.gather [hbm4b:s5+s3], $0x2780, $0x38;
	[tilespmem:$0x12F00] =	vst v63  }
0x12: {  	_ =	swait.ge [sflag:s14], $0x2780  }
0x13: {  	[sflag:s14] =	ssyncset.done $0x0  }
0x14: {  	[sflag:s14] =	ssyncadd.s32 $0xFFFFD880  }
0x15: {  	[tilespmem:s15], [sflag:$0x3] =	stream.linear.gather [hbm4b:s6+s3], $0x2780, $0x38;
	[tilespmem:$0x12F00] =	vst v63  }
0x16: {  	_ =	swait.ge [sflag:s14], $0x2780  }
0x17: {  	[sflag:s14] =	ssyncset.done $0x0  }
0x18: {  	s25 =	simm.s32 $0x100;
	s24 =	simm.s32 $0x0;
	[sflag:s14] =	ssyncadd.s32 $0xFFFFD880  }
.LBB2_2:
0x19: {  	p0 =	sne.s32 s25, $0x7F00;
	[tilespmem:s24+$0x4F30] =	vst v0;
	s26 =	smov.u32 s25;
	s25 =	sadd.s32 $0x100, s25  }
.Ltmp0:
0x1a: {  	[tilespmem:s24+$0x4F20] =	vst v0;
	(pc) =	sbr.rel @p0 .LBB2_2-.Ltmp0, $3  }
0x1b: {  	[tilespmem:s24+$0x4F00] =	vst v0  }
0x1c: {  	[tilespmem:s24+$0x4F10] =	vst v0;
	_ =	sdelay $0x1  }
0x1d: {  	s24 =	sshra.s32 s26, $0x2  }
0x1e: {  	[tilespmem:s24+$0x4F30] =	vst v0  }
0x1f: {  	[tilespmem:s24+$0x4F20] =	vst v0  }
0x20: {  	[tilespmem:s24+$0x4F00] =	vst v0  }
0x21: {  	[tilespmem:s24+$0x4F10] =	vst v0  }
0x22: {  	[spmem:s7] =	stream.linear.scatter [tilespmem:s16], [sflag:$0x3], $0x2000, $0x38;
	[tilespmem:$0x12F00] =	vst v63  }
0x23: {  	_ =	swait.ge [sflag:s14], $0x2000  }
0x24: {  	[sflag:s14] =	ssyncset.done $0x0  }
0x25: {  	[sflag:s14] =	ssyncadd.s32 $0xFFFFE000  }
0x26: {  	[spmem:s8] =	stream.linear.scatter [tilespmem:s16], [sflag:$0x3], $0x2000, $0x38;
	[tilespmem:$0x12F00] =	vst v63  }
0x27: {  	_ =	swait.ge [sflag:s14], $0x2000  }
0x28: {  	[sflag:s14] =	ssyncset.done $0x0  }
0x29: {  	[sflag:s14] =	ssyncadd.s32 $0xFFFFE000  }
0x2a: {  	[spmem:s9] =	stream.linear.scatter [tilespmem:s16], [sflag:$0x3], $0x2000, $0x38;
	[tilespmem:$0x12F00] =	vst v63  }
0x2b: {  	_ =	swait.ge [sflag:s14], $0x2000  }
0x2c: {  	[sflag:s14] =	ssyncset.done $0x0  }
0x2d: {  	[sflag:s14] =	ssyncadd.s32 $0xFFFFE000  }
0x2e: {  	[spmem:s10] =	stream.linear.scatter [tilespmem:s16], [sflag:$0x3], $0x2000, $0x38;
	[tilespmem:$0x12F00] =	vst v63  }
0x2f: {  	_ =	swait.ge [sflag:s14], $0x2000  }
0x30: {  	[sflag:s14] =	ssyncset.done $0x0  }
0x31: {  	[sflag:s14] =	ssyncadd.s32 $0xFFFFE000  }
0x32: {  	[spmem:s11] =	stream.linear.scatter [tilespmem:s16], [sflag:$0x3], $0x2000, $0x38;
	[tilespmem:$0x12F00] =	vst v63  }
0x33: {  	_ =	swait.ge [sflag:s14], $0x2000  }
0x34: {  	[sflag:s14] =	ssyncset.done $0x0  }
0x35: {  	[sflag:s14] =	ssyncadd.s32 $0xFFFFE000  }
0x36: {  	s26 =	simm.s32 $0x0;
	[bflag:$0x0] =	sbarrier.arrive $0xFFFF  }
0x37: {  	[tilespmem:s16], [sflag:$0x1] =	stream.indirect.gather [hbm4b:s4+s17], $0x40, s26, s17, $0xb8;
	[tilespmem:$0x12F00] =	vst v63  }
0x38: {  	s28 =	simm.s32 $0x80  }
0x39: {  	[tilespmem:s18], [sflag:$0x2] =	stream.indirect.gather [hbm4b:s4+s17], $0x40, s28, s17, $0xb8;
	[tilespmem:$0x12F00] =	vst v63  }
0x3a: {  	_ =	swait.ge [sflag:s19], $0x2000  }
0x3b: {  	[sflag:s19] =	ssyncset.done $0x0  }
0x3c: {  	s29 =	simm.s32 $0x2780;
	[sflag:s19] =	ssyncadd.s32 $0xFFFFE000  }
0x3d: {  	[spmem:s2] =	stream.indirect.scatter.add.f32 [tilespmem:s16], [sflag:$0x4], $0x40, s29, s17, $0xb8;
	[tilespmem:$0x12F00] =	vst v63  }
0x3e: {  	_ =	swait.ge [sflag:s20], $0x2000  }
0x3f: {  	[sflag:s20] =	ssyncset.done $0x0  }
0x40: {  	s30 =	simm.s32 $0x100;
	[sflag:s20] =	ssyncadd.s32 $0xFFFFE000  }
0x41: {  	[tilespmem:s16], [sflag:$0x1] =	stream.indirect.gather [hbm4b:s4+s17], $0x40, s30, s17, $0xb8;
	[tilespmem:$0x12F00] =	vst v63  }
0x42: {  	_ =	swait.ge [sflag:s21], $0x2000  }
0x43: {  	[sflag:s21] =	ssyncset.done $0x0  }
0x44: {  	s31 =	simm.s32 $0x2800;
	[sflag:s21] =	ssyncadd.s32 $0xFFFFE000  }
0x45: {  	[spmem:s2] =	stream.indirect.scatter.add.f32 [tilespmem:s18], [sflag:$0x3], $0x40, s31, s17, $0xb8;
	[tilespmem:$0x12F00] =	vst v63  }
0x46: {  	_ =	swait.ge [sflag:s14], $0x2000  }
0x47: {  	s25 =	simm.s32 $0x800;
	s24 =	simm.s32 $0x100;
	[sflag:s14] =	ssyncset.done $0x0  }
.LBB2_4:
0x48: {  	s26 =	sadd.s32 $0x80, s24  }
0x49: {  	[sflag:s14] =	ssyncadd.s32 $0xFFFFE000;
	s28 =	smov.u32 s25;
	s29 =	sadd.s32 $0x400, s25  }
0x4a: {  	[tilespmem:s18], [sflag:$0x2] =	stream.indirect.gather [hbm4b:s4+s17], $0x40, s26, s17, $0xb8;
	[tilespmem:$0x12F00] =	vst v63  }
0x4b: {  	p0 =	sne.s32 s25, $0x9800;
	_ =	swait.ge [sflag:s19], $0x2000  }
0x4c: {  	[sflag:s19] =	ssyncset.done $0x0  }
0x4d: {  	s25 =	sadd.s32 $0x2780, s24;
	[sflag:s19] =	ssyncadd.s32 $0xFFFFE000  }
0x4e: {  	[spmem:s2] =	stream.indirect.scatter.add.f32 [tilespmem:s16], [sflag:$0x4], $0x40, s25, s17, $0xb8;
	[tilespmem:$0x12F00] =	vst v63  }
0x4f: {  	_ =	swait.ge [sflag:s20], $0x2000  }
0x50: {  	[sflag:s20] =	ssyncset.done $0x0  }
0x51: {  	s25 =	sadd.s32 $0x100, s24;
	[sflag:s20] =	ssyncadd.s32 $0xFFFFE000  }
0x52: {  	[tilespmem:s16], [sflag:$0x1] =	stream.indirect.gather [hbm4b:s4+s17], $0x40, s25, s17, $0xb8;
	[tilespmem:$0x12F00] =	vst v63  }
0x53: {  	_ =	swait.ge [sflag:s21], $0x2000  }
.Ltmp1:
0x54: {  	[sflag:s21] =	ssyncset.done $0x0;
	(pc) =	sbr.rel @p0 .LBB2_4-.Ltmp1, $4  }
0x55: {  	s24 =	sadd.s32 $0x2800, s24;
	[sflag:s21] =	ssyncadd.s32 $0xFFFFE000  }
0x56: {  	[spmem:s2] =	stream.indirect.scatter.add.f32 [tilespmem:s18], [sflag:$0x3], $0x40, s24, s17, $0xb8;
	[tilespmem:$0x12F00] =	vst v63  }
0x57: {  	_ =	swait.ge [sflag:s14], $0x2000  }
0x58: {  	s25 =	smov.u32 s29;
	s24 =	sshra.s32 s28, $0x2;
	[sflag:s14] =	ssyncset.done $0x0  }
0x59: {  	s25 =	sadd.s32 $0x80, s24;
	[sflag:s14] =	ssyncadd.s32 $0xFFFFE000  }
0x5a: {  	[tilespmem:s18], [sflag:$0x2] =	stream.indirect.gather [hbm4b:s4+s17], $0x40, s25, s17, $0xb8;
	[tilespmem:$0x12F00] =	vst v63  }
0x5b: {  	_ =	swait.ge [sflag:s19], $0x2000  }
0x5c: {  	[sflag:s19] =	ssyncset.done $0x0  }
0x5d: {  	s26 =	sadd.s32 $0x2780, s24;
	[sflag:s19] =	ssyncadd.s32 $0xFFFFE000  }
0x5e: {  	[spmem:s2] =	stream.indirect.scatter.add.f32 [tilespmem:s16], [sflag:$0x4], $0x40, s26, s17, $0xb8;
	[tilespmem:$0x12F00] =	vst v63  }
0x5f: {  	_ =	swait.ge [sflag:s20], $0x2000  }
0x60: {  	[sflag:s20] =	ssyncset.done $0x0  }
0x61: {  	s28 =	sadd.s32 $0x100, s24;
	[sflag:s20] =	ssyncadd.s32 $0xFFFFE000  }
0x62: {  	[tilespmem:s16], [sflag:$0x1] =	stream.indirect.gather [hbm4b:s4+s17], $0x40, s28, s17, $0xb8;
	[tilespmem:$0x12F00] =	vst v63  }
0x63: {  	_ =	swait.ge [sflag:s21], $0x2000  }
0x64: {  	[sflag:s21] =	ssyncset.done $0x0  }
0x65: {  	s29 =	sadd.s32 $0x2800, s24;
	[sflag:s21] =	ssyncadd.s32 $0xFFFFE000  }
0x66: {  	[spmem:s2] =	stream.indirect.scatter.add.f32 [tilespmem:s18], [sflag:$0x3], $0x40, s29, s17, $0xb8;
	[tilespmem:$0x12F00] =	vst v63  }
0x67: {  	_ =	swait.ge [sflag:s14], $0x2000  }
0x68: {  	[sflag:s14] =	ssyncset.done $0x0  }
0x69: {  	[sflag:s14] =	ssyncadd.s32 $0xFFFFE000  }
0x6a: {  	_ =	swait.ge [sflag:s19], $0x2000  }
0x6b: {  	[sflag:s19] =	ssyncset.done $0x0  }
0x6c: {  	[sflag:s19] =	ssyncadd.s32 $0xFFFFE000  }
0x6d: {  	[spmem:s2] =	stream.indirect.scatter.add.f32 [tilespmem:s16], [sflag:$0x4], $0x40, s22, s17, $0xb8;
	[tilespmem:$0x12F00] =	vst v63  }
0x6e: {  	_ =	swait.ge [sflag:s20], $0x2000  }
0x6f: {  	s30 =	sshll.u32 s1, $0x6;
	s23 =	sadd.s32 $0x1, s23;
	[sflag:s20] =	ssyncset.done $0x0  }
0x70: {  	s31 =	sshrl.u32 s7, $0x3;
	p0 =	sne.s32 s23, s13;
	[sflag:s20] =	ssyncadd.s32 $0xFFFFE000  }
.Ltmp2:
0x71: {  	s24 =	sor.u32 $0x1C03, s30;
	[bflag:$0x0] =	sbarrier.arrive $0xFFFF;
	(pc) =	sbr.rel @p0 .LBB2_1-.Ltmp2, $4  }
0x72: {  	[hbm:s12], [sflag:s24] =	dma.local [spmem:s31], $0x1400  }
0x73: {  	_ =	swait.ge [sflag:s14], $0x1400  }
0x74: {  	[sflag:s14] =	ssyncset.done $0x0  }
0x75: {  	[sflag:s14] =	ssyncadd.s32 $0xFFFFEC00  }
0x76: {  	_ =	sfence.sel $0x180000  }
0x77: {  	[bflag:$0x0] =	sbarrier.arrive $0xFFFF  }
0x78: {  	p0 =	sne.s32 s1, $0x0;
	_ =	strace $0x9000004A  }
0x79: {  	s0 =	sadd.s32 @!p0 $0x100000, s0;
	[bflag:$0x2] =	sbarrier.arrive $0xFFFF  }
0x7a: {  	[sflag:s0] =	ssyncadd.tile.s32 @!p0 $0x1;
	_ =	shalt  }
.Lfunc_end2:
_tile_overlayer_lowered:
.L_overlay_start_2:
0x7b: {  	(tag) =	ssettag $0x2  }
0x7c: {  	s0 =	rddreg [dreg:$0x0];
	s2 =	stileid.u32  }
0x7d: {  	s1 =	rddreg [dreg:$0x1];
	p0 =	sne.s32 s2, $0x0  }
0x7e: {  	s3 =	rddreg [dreg:$0x2];
	[bflag:$0x3] =	sbarrier.arrive $0xFFFF;
	s2 =	simm.s32 @!p0 $0x1C03  }
0x7f: {  	[timem:s3], [sflag:s2] =	dma.local @!p0 [hbm:s0], s1  }
0x80: {  	s0 =	simm.s32 @!p0 $0x3  }
0x81: {  	_ =	swait.ge @!p0 [sflag:s0], s1  }
0x82: {  	s1 =	ssub.s32 @!p0 $0x0, s1;
	[sflag:s0] =	ssyncset.done @!p0 $0x0  }
0x83: {  	[sflag:s0] =	ssyncadd.s32 @!p0 s1  }
0x84: {  	[bflag:$0x3] =	sbarrier.arrive $0xFFFF  }
0x85: {  	_ =	shalt  }

// kernel: kernel.15.cloned.1.call-start
scs
__scs_entry_jumppad:
0x0: {  	(pc) =	sbr.rel $0x88, $3  }
0x1: {  	(tag) =	ssettag $0x0;
	lr =	simm.s32 $0x1  }
0x2: {  	[smem:$0x3F9B] =	sst lr;
	_ =	strace $0xD0000000  }
0x3: {  	_ = 	snop  }
0x4: {  	_ = 	snop  }
0x5: {  	_ = 	snop  }
0x6: {  	_ = 	snop  }
0x7: {  	_ = 	snop  }
__scs_overlays_trampoline_lowered:
0x8: {  	[smem:$0x3FAA] =	sst s0  }
0x9: {  	[smem:$0x3FAB] =	sst s1  }
0xa: {  	[smem:$0x3FAC] =	sst s2  }
0xb: {  	[smem:$0x3FAD] =	sst s3  }
0xc: {  	[smem:$0x3FAE] =	sst s4  }
0xd: {  	[smem:$0x3FAF] =	sst s5  }
0xe: {  	[smem:$0x3FB0] =	sst s6  }
0xf: {  	[smem:$0x3FB1] =	sst s7  }
0x10: {  	[smem:$0x3FB2] =	sst s8  }
0x11: {  	[smem:$0x3FB3] =	sst s9;
	s0 =	simm.s32 @!p0 $0x0  }
0x12: {  	s1 =	sld [smem:$0x3F99];
	s0 =	simm.s32 @p0 $0x1  }
0x13: {  	[smem:$0x3FB4] =	sst s0;
	s0 =	simm.s32 @!p1 $0x0  }
0x14: {  	s2 =	sld [smem:$0x3F98];
	s0 =	simm.s32 @p1 $0x1  }
0x15: {  	[smem:$0x3FB5] =	sst s0;
	s0 =	simm.s32 @!p2 $0x0  }
0x16: {  	s3 =	sld [smem:$0x3FDB];
	s0 =	simm.s32 @p2 $0x1  }
0x17: {  	s4 =	simm.s32 $0x1BF5;
	[smem:$0x3FB7] =	sst s0  }
0x18: {  	s0 =	sld [smem:$0x3F9A];
	_ =	swait.ge [sflag:s4], $0x0  }
0x19: {  	s7 =	sld [smem:$0x3F9B]  }
0x1a: {  	s8 =	sadd.s32 $0xFFFFE003, lr  }
0x1b: {  	s9 =	sadd.s32 $0xFFFFFEF7, lr;
	s5 =	simm.s32 $0xFFFFFFFF;
	p2 =	slt.u32 s8, $0xFFFFF086  }
0x1c: {  	p1 =	slt.u32 s9, $0xF7A;
	s5 =	simm.s32 @!p2 $0x0  }
0x1d: {  	s5 =	simm.s32 @p1 $0x1;
	p0 =	seq.s32 s7, s2  }
0x1e: {  	s7 =	smul.u32 @!p0 $0xF7A, s2;
	p2 =	seq.s32 @!p0 s5, $0x0  }
0x1f: {  	s9 =	smul.u32 $0xF7A, s1;
	s8 =	simm.s32 @!p0 $0x1BF5;
	p2 =	por !p2, p0  }
0x20: {  	[sflag:s8] =	ssyncset.s32 @!p0 $0xFFFFF086;
	s6 =	sadd.s32 @!p0 s3, s7;
	s7 =	simm.s32 @!p0 $0x108  }
0x21: {  	s3 =	sadd.s32 s3, s9;
	s6 =	sadd.s32 @!p0 $0x88, s6;
	s7 =	simm.s32 @p2 $0x1082  }
0x22: {  	[simem:s7], [sflag:s8] =	dma.local @!p0 [hbm:s6], $0xF7A  }
0x23: {  	s9 =	sor.u32 $0xD0000000, s2;
	s6 =	simm.s32 $0x108;
	_ =	swait.ge @!p0 [sflag:s8], $0x0  }
0x24: {  	s3 =	sadd.s32 $0x88, s3;
	s6 =	simm.s32 @!p1 $0x1082;
	[sflag:s4] =	ssyncset.s32 $0xFFFFF086  }
0x25: {  	[simem:s6], [sflag:s4] =	dma.local [hbm:s3], $0xF7A  }
0x26: {  	[smem:$0x3F9B] =	sst s1;
	(tag) =	ssettag s2;
	_ =	strace s9  }
0x27: {  	s1 =	sld [smem:$0x3FAB]  }
0x28: {  	s2 =	sld [smem:$0x3FAC]  }
0x29: {  	s4 =	sld [smem:$0x3FAE]  }
0x2a: {  	p0 =	seq.s32 s5, $0x0;
	s5 =	sld [smem:$0x3FAF]  }
0x2b: {  	s6 =	sld [smem:$0x3FB0]  }
0x2c: {  	s7 =	sld [smem:$0x3FB1]  }
0x2d: {  	s3 =	simm.s32 $0x108;
	s8 =	sld [smem:$0x3FB2]  }
0x2e: {  	s3 =	simm.s32 @!p0 $0x1082;
	s9 =	sld [smem:$0x3FB3]  }
0x2f: {  	lr =	sadd.s32 s0, s3;
	s0 =	sld [smem:$0x3FAA]  }
0x30: {  	s3 =	sld [smem:$0x3FAD]  }
0x31: {  	[smem:$0x3FB6] =	sst s10  }
0x32: {  	s10 =	sld [smem:$0x3FB4];
	_ =	sdelay $0x3  }
0x33: {  	p0 =	seq.s32 s10, $0x1;
	s10 =	sld [smem:$0x3FB6];
	_ =	sdelay $0x3  }
0x34: {  	[smem:$0x3FB6] =	sst s10  }
0x35: {  	s10 =	sld [smem:$0x3FB5];
	_ =	sdelay $0x3  }
0x36: {  	p1 =	seq.s32 s10, $0x1;
	s10 =	sld [smem:$0x3FB6];
	_ =	sdelay $0x3  }
0x37: {  	[smem:$0x3FB6] =	sst s10  }
0x38: {  	s10 =	sld [smem:$0x3FB7]  }
0x39: {  	_ = 	snop;
	(pc) =	sbr.ind lr, $3  }
0x3a: {  	_ = 	snop  }
0x3b: {  	_ = 	snop  }
0x3c: {  	p2 =	seq.s32 s10, $0x1;
	s10 =	sld [smem:$0x3FB6]  }
0x3d: {  	_ =	shalt  }
0x3e: {  	_ =	shalt  }
0x3f: {  	_ =	shalt  }
0x40: {  	_ =	shalt  }
0x41: {  	_ =	shalt  }
0x42: {  	_ =	shalt  }
0x43: {  	_ =	shalt  }
0x44: {  	_ =	shalt  }
0x45: {  	_ =	shalt  }
0x46: {  	_ =	shalt  }
0x47: {  	_ =	shalt  }
0x48: {  	_ =	shalt  }
0x49: {  	_ =	shalt  }
0x4a: {  	_ =	shalt  }
0x4b: {  	_ =	shalt  }
0x4c: {  	_ =	shalt  }
0x4d: {  	_ =	shalt  }
0x4e: {  	_ =	shalt  }
0x4f: {  	_ =	shalt  }
0x50: {  	_ =	shalt  }
0x51: {  	_ =	shalt  }
0x52: {  	_ =	shalt  }
0x53: {  	_ =	shalt  }
0x54: {  	_ =	shalt  }
0x55: {  	_ =	shalt  }
0x56: {  	_ =	shalt  }
0x57: {  	_ =	shalt  }
0x58: {  	_ =	shalt  }
0x59: {  	_ =	shalt  }
0x5a: {  	_ =	shalt  }
0x5b: {  	_ =	shalt  }
0x5c: {  	_ =	shalt  }
0x5d: {  	_ =	shalt  }
0x5e: {  	_ =	shalt  }
0x5f: {  	_ =	shalt  }
0x60: {  	_ =	shalt  }
0x61: {  	_ =	shalt  }
0x62: {  	_ =	shalt  }
0x63: {  	_ =	shalt  }
0x64: {  	_ =	shalt  }
0x65: {  	_ =	shalt  }
0x66: {  	_ =	shalt  }
0x67: {  	_ =	shalt  }
0x68: {  	_ =	shalt  }
0x69: {  	_ =	shalt  }
0x6a: {  	_ =	shalt  }
0x6b: {  	_ =	shalt  }
0x6c: {  	_ =	shalt  }
0x6d: {  	_ =	shalt  }
0x6e: {  	_ =	shalt  }
0x6f: {  	_ =	shalt  }
0x70: {  	_ =	shalt  }
0x71: {  	_ =	shalt  }
0x72: {  	_ =	shalt  }
0x73: {  	_ =	shalt  }
0x74: {  	_ =	shalt  }
0x75: {  	_ =	shalt  }
0x76: {  	_ =	shalt  }
0x77: {  	_ =	shalt  }
0x78: {  	_ =	shalt  }
0x79: {  	_ =	shalt  }
0x7a: {  	_ =	shalt  }
0x7b: {  	_ =	shalt  }
0x7c: {  	_ =	shalt  }
0x7d: {  	_ =	shalt  }
0x7e: {  	_ =	shalt  }
0x7f: {  	_ =	shalt  }
0x80: {  	_ =	shalt  }
0x81: {  	_ =	shalt  }
0x82: {  	_ =	shalt  }
0x83: {  	_ =	shalt  }
0x84: {  	_ =	shalt  }
0x85: {  	_ =	shalt  }
0x86: {  	_ =	shalt  }
0x87: {  	_ =	shalt  }
.Lfunc_end0:
.L_simem_size_0:
called_computation.2_lowered:
.L_overlay_start_0:
0x88: {  	s2 =	sld [smem:$0x3FD9]  }
0x89: {  	s3 =	sld [smem:$0x3FFE];
	_ =	sdelay $0x1  }
0x8a: {  	s1 =	srdreg.scid  }
0x8b: {  	s0 =	sand.u32 $0x1, s1  }
0x8c: {  	s16 =	sshll.u32 s0, $0xA;
	s2 =	sadd.s32 s3, s2  }
0x8d: {  	s2 =	sadd.s32 s2, s16  }
0x8e: {  	[smem:$0x3FC2] =	sst s2  }
0x8f: {  	_ = 	snop  }
0x90: {  	(tm) =	ssettm $0x1  }
0x91: {  	s17 =	sld [smem:$0x3FFB];
	_ =	sdelay $0x3  }
0x92: {  	_ =	strace s17  }
0x93: {  	s2 =	sld [smem:$0x3FFC];
	_ =	sdelay $0x3  }
0x94: {  	_ =	strace s2  }
0x95: {  	s2 =	sld [smem:$0x3FFD];
	_ =	sdelay $0x3  }
0x96: {  	_ =	strace s2  }
0x97: {  	_ =	strace $0x8FFFFFFF  }
0x98: {  	s18 =	sld [smem:$0x3FDB];
	_ =	sdelay $0x1  }
0x99: {  	s19 =	simm.s32 $_scs_section_size  }
0x9a: {  	s4 =	simm.s32 $_size__tile_overlayer_lowered;
	s5 =	simm.s32 $_tile_overlayer_lowered  }
0x9b: {  	s22 =	simm.s32 $0x1BFF;
	s21 =	sshll.u32 s5, $0x1;
	s2 =	sadd.s32 s19, s18  }
0x9c: {  	s6 =	simm.s32 $0x0;
	s20 =	sshll.u32 s4, $0x1;
	s4 =	sadd.s32 s21, s2  }
0x9d: {  	[timem:s6], [sflag:s22] =	dma.local [hbm:s4], s20  }
0x9e: {  	_ =	swait.ge [sflag:s22], s20  }
0x9f: {  	s3 =	ssub.s32 $0x0, s20;
	[sflag:s22] =	ssyncset.done $0x0  }
0xa0: {  	[sflag:s22] =	ssyncadd.s32 s3;
	_ =	sdelay $0x1  }
0xa1: {  	s23 =	simm.s32 $0x1B8B  }
0xa2: {  	_ =	swait.ge [sflag:s23], $0x1  }
0xa3: {  	[sflag:s23] =	ssyncset.done $0x0  }
0xa4: {  	s25 =	simm.s32 $0x1B8E;
	s24 =	sld [smem:$0x3FFE];
	[sflag:s23] =	ssyncadd.s32 $0xFFFFFFFF  }
0xa5: {  	s26 =	simm.s32 $execute0_lowered;
	[smem:$0x3FD2] =	sst s25  }
0xa6: {  	s4 =	sshll.u32 s26, $0x1;
	_ =	strace $0x8000004C;
	[dreg:$0x1] =	wrdreg $0xFFFFFFFF  }
0xa7: {  	s28 =	simm.s32 $_size_execute0_lowered;
	s2 =	sadd.s32 s2, s4;
	[dreg:$0x0] =	wrdreg $0x0  }
0xa8: {  	s4 =	sshll.u32 s28, $0x1;
	[dreg:$0x2] =	wrdreg s2  }
0xa9: {  	[dreg:$0x3] =	wrdreg s4  }
0xaa: {  	[dreg:$0x4] =	wrdreg $0xC0  }
0xab: {  	_ =	task [dreg:s6], $0x5FFFF  }
0xac: {  	[dreg:$0x1] =	wrdreg $0xFFFFFFFF  }
0xad: {  	[dreg:$0x0] =	wrdreg $0x60  }
0xae: {  	[dreg:$0x2] =	wrdreg s24  }
0xaf: {  	[dreg:$0x3] =	wrdreg $0x7F000  }
0xb0: {  	[dreg:$0x4] =	wrdreg $0x9  }
0xb1: {  	_ =	task.clear_ibuf [dreg:s6], $0x5FFFF;
	_ =	strace $0x9000004C  }
0xb2: {  	s29 =	simm.s32 $0x9;
	_ =	strace $0x8000004E  }
0xb3: {  	_ =	swait.ge [sflag:s29], $0x1  }
0xb4: {  	[sflag:s29] =	ssyncadd.s32 $0xFFFFFFFF  }
0xb5: {  	_ =	strace $0x9000004E  }
0xb6: {  	_ =	sfence  }
0xb7: {  	s30 =	sld [smem:$0x0];
	_ =	sdelay $0x2  }
0xb8: {  	s31 =	sshll.u32 s1, $0xD;
	s1 =	sshrl.u32 s1, $0x2  }
0xb9: {  	s3 =	sand.u32 $0x4000, s31;
	s1 =	sadd.s32 s1, s30  }
0xba: {  	s0 =	sor.u32 s3, s0;
	s1 =	sshll.u32 s1, $0x11  }
0xbb: {  	s0 =	sor.u32 s1, s0  }
0xbc: {  	s0 =	sadd.s32 $0x8F2B, s0  }
0xbd: {  	[sflag:s0] =	ssyncadd.remote.s32 $0x1  }
0xbe: {  	_ =	sfence.sel $0xFFFF  }
0xbf: {  	[dreg:$0x0] =	wrdreg $0xFFFFFFFF;
	(pc) =	sbr.abs _section_cstart, $3  }
0xc0: {  	[dreg:$0x1] =	wrdreg $0xFFFFFFFF  }
0xc1: {  	_ =	task.clear_ibuf [dreg:s6], $0x2FFFF;
	_ =	strace $0x9FFFFFFF  }
0xc2: {  	(tm) =	ssettm $0x7FFFFFFF  }
0xc3: {  	_ =	shalt  }
tec
execute0_lowered:
.L_overlay_start_1:
0x0: {  	(tag) =	ssettag $0x1  }
0x1: {  	s5 =	rddreg [dreg:$0x0]  }
0x2: {  	s2 =	rddreg [dreg:$0x1];
	s3 =	srdreg.scid  }
0x3: {  	s0 =	rddreg [dreg:$0x2];
	s1 =	stileid.u32  }
0x4: {  	s14 =	simm.s32 $0x3;
	s15 =	simm.s32 $0x2780;
	s16 =	simm.s32 $0x4F00  }
0x5: {  	s17 =	simm.s32 $0x80;
	s18 =	simm.s32 $0x6700;
	s19 =	simm.s32 $0x1  }
0x6: {  	s20 =	simm.s32 $0x4;
	s21 =	simm.s32 $0x2;
	s22 =	simm.s32 $0x4E80  }
0x7: {  	s23 =	simm.s32 $0x0;
	s6 =	sand.u32 $0x1, s3;
	s7 =	smul.u32 $0x7800, s1  }
0x8: {  	s3 =	simm.s32 $0x0;
	s10 =	smul.u32 $0x1E000, s1;
	s4 =	sshll.u32 s6, $0x4  }
0x9: {  	[smem:$0x7FF] =	sst s3;
	s8 =	smul.u32 $0x78000, s6;
	s6 =	ssub.s32 $0x2, s6  }
0xa: {  	s4 =	sor.u32 s1, s4;
	_ =	strace $0x8000004D;
	s30 =	sshrl.u32 s6, $0x1  }
0xb: {  	s31 =	sshrl.u32 s10, $0x2;
	s9 =	smul.u32 $0x4F0, s4;
	s4 =	sadd.s32 $0x1600, s5  }
0xc: {  	s8 =	sadd.s32 s7, s8;
	s13 =	ssub.s32 s6, s30;
	s11 =	sadd.s32 s31, s2  }
0xd: {  	s7 =	sadd.s32 s7, s2;
	s8 =	sshrl.u32 s8, $0x3;
	s10 =	sadd.s32 $0x4800, s11  }
0xe: {  	s13 =	smax.u32 s13, $0x1;
	s9 =	sadd.s32 s9, s5;
	s12 =	sadd.s32 s8, s5  }
0xf: {  	s8 =	sadd.s32 $0x1800, s11;
	s5 =	sadd.s32 $0x29000, s9;
	s6 =	sadd.s32 $0x1F200, s9  }
0x10: {  	v0 =	vimm.f32 $0.0e+00;
	s9 =	sadd.s32 $0x3000, s11;
	s11 =	sadd.s32 $0x6000, s11;
	s12 =	sadd.s32 $0x32E00, s12  }
.LBB2_1:
0x11: {  	[tilespmem:s3], [sflag:$0x3] =	stream.linear.gather [hbm4b:s5+s3], $0x2780, $0x38;
	[tilespmem:$0xF700] =	vst v63  }
0x12: {  	_ =	swait.ge [sflag:s14], $0x2780  }
0x13: {  	[sflag:s14] =	ssyncset.done $0x0  }
0x14: {  	[sflag:s14] =	ssyncadd.s32 $0xFFFFD880  }
0x15: {  	[tilespmem:s15], [sflag:$0x3] =	stream.linear.gather [hbm4b:s6+s3], $0x2780, $0x38;
	[tilespmem:$0xF700] =	vst v63  }
0x16: {  	_ =	swait.ge [sflag:s14], $0x2780  }
0x17: {  	[sflag:s14] =	ssyncset.done $0x0  }
0x18: {  	s24 =	simm.s32 $0xC0;
	s25 =	simm.s32 $0x0;
	[sflag:s14] =	ssyncadd.s32 $0xFFFFD880  }
.LBB2_2:
0x19: {  	p0 =	sne.s32 s24, $0x5F40;
	[tilespmem:s25+$0x4F20] =	vst v0;
	s26 =	smov.u32 s24;
	s24 =	sadd.s32 $0xC0, s24  }
.Ltmp0:
0x1a: {  	[tilespmem:s25+$0x4F00] =	vst v0;
	(pc) =	sbr.rel @p0 .LBB2_2-.Ltmp0, $2  }
0x1b: {  	[tilespmem:s25+$0x4F10] =	vst v0;
	_ =	sdelay $0x2  }
0x1c: {  	s25 =	sshra.s32 s26, $0x2  }
0x1d: {  	[tilespmem:s25+$0x4F20] =	vst v0  }
0x1e: {  	[tilespmem:s25+$0x4F00] =	vst v0  }
0x1f: {  	[tilespmem:s25+$0x4F10] =	vst v0  }
0x20: {  	[spmem:s7] =	stream.linear.scatter [tilespmem:s16], [sflag:$0x3], $0x1800, $0x38;
	[tilespmem:$0xF700] =	vst v63  }
0x21: {  	_ =	swait.ge [sflag:s14], $0x1800  }
0x22: {  	[sflag:s14] =	ssyncset.done $0x0  }
0x23: {  	[sflag:s14] =	ssyncadd.s32 $0xFFFFE800  }
0x24: {  	[spmem:s8] =	stream.linear.scatter [tilespmem:s16], [sflag:$0x3], $0x1800, $0x38;
	[tilespmem:$0xF700] =	vst v63  }
0x25: {  	_ =	swait.ge [sflag:s14], $0x1800  }
0x26: {  	[sflag:s14] =	ssyncset.done $0x0  }
0x27: {  	[sflag:s14] =	ssyncadd.s32 $0xFFFFE800  }
0x28: {  	[spmem:s9] =	stream.linear.scatter [tilespmem:s16], [sflag:$0x3], $0x1800, $0x38;
	[tilespmem:$0xF700] =	vst v63  }
0x29: {  	_ =	swait.ge [sflag:s14], $0x1800  }
0x2a: {  	[sflag:s14] =	ssyncset.done $0x0  }
0x2b: {  	[sflag:s14] =	ssyncadd.s32 $0xFFFFE800  }
0x2c: {  	[spmem:s10] =	stream.linear.scatter [tilespmem:s16], [sflag:$0x3], $0x1800, $0x38;
	[tilespmem:$0xF700] =	vst v63  }
0x2d: {  	_ =	swait.ge [sflag:s14], $0x1800  }
0x2e: {  	[sflag:s14] =	ssyncset.done $0x0  }
0x2f: {  	[sflag:s14] =	ssyncadd.s32 $0xFFFFE800  }
0x30: {  	[spmem:s11] =	stream.linear.scatter [tilespmem:s16], [sflag:$0x3], $0x1800, $0x38;
	[tilespmem:$0xF700] =	vst v63  }
0x31: {  	_ =	swait.ge [sflag:s14], $0x1800  }
0x32: {  	[sflag:s14] =	ssyncset.done $0x0  }
0x33: {  	[sflag:s14] =	ssyncadd.s32 $0xFFFFE800  }
0x34: {  	s24 =	simm.s32 $0x0;
	[bflag:$0x0] =	sbarrier.arrive $0xFFFF  }
0x35: {  	[tilespmem:s16], [sflag:$0x1] =	stream.indirect.gather [hbm4b:s4+s17], $0x30, s24, s17, $0xb8;
	[tilespmem:$0xF700] =	vst v63  }
0x36: {  	s28 =	simm.s32 $0x80  }
0x37: {  	[tilespmem:s18], [sflag:$0x2] =	stream.indirect.gather [hbm4b:s4+s17], $0x30, s28, s17, $0xb8;
	[tilespmem:$0xF700] =	vst v63  }
0x38: {  	_ =	swait.ge [sflag:s19], $0x1800  }
0x39: {  	[sflag:s19] =	ssyncset.done $0x0  }
0x3a: {  	s29 =	simm.s32 $0x2780;
	[sflag:s19] =	ssyncadd.s32 $0xFFFFE800  }
0x3b: {  	[spmem:s2] =	stream.indirect.scatter.add.f32 [tilespmem:s16], [sflag:$0x4], $0x30, s29, s17, $0xb8;
	[tilespmem:$0xF700] =	vst v63  }
0x3c: {  	_ =	swait.ge [sflag:s20], $0x1800  }
0x3d: {  	[sflag:s20] =	ssyncset.done $0x0  }
0x3e: {  	s30 =	simm.s32 $0x100;
	[sflag:s20] =	ssyncadd.s32 $0xFFFFE800  }
0x3f: {  	[tilespmem:s16], [sflag:$0x1] =	stream.indirect.gather [hbm4b:s4+s17], $0x30, s30, s17, $0xb8;
	[tilespmem:$0xF700] =	vst v63  }
0x40: {  	_ =	swait.ge [sflag:s21], $0x1800  }
0x41: {  	[sflag:s21] =	ssyncset.done $0x0  }
0x42: {  	s31 =	simm.s32 $0x2800;
	[sflag:s21] =	ssyncadd.s32 $0xFFFFE800  }
0x43: {  	[spmem:s2] =	stream.indirect.scatter.add.f32 [tilespmem:s18], [sflag:$0x3], $0x30, s31, s17, $0xb8;
	[tilespmem:$0xF700] =	vst v63  }
0x44: {  	_ =	swait.ge [sflag:s14], $0x1800  }
0x45: {  	s25 =	simm.s32 $0x800;
	s24 =	simm.s32 $0x100;
	[sflag:s14] =	ssyncset.done $0x0  }
.LBB2_4:
0x46: {  	s26 =	sadd.s32 $0x80, s24  }
0x47: {  	[sflag:s14] =	ssyncadd.s32 $0xFFFFE800;
	s28 =	smov.u32 s25;
	s29 =	sadd.s32 $0x400, s25  }
0x48: {  	[tilespmem:s18], [sflag:$0x2] =	stream.indirect.gather [hbm4b:s4+s17], $0x30, s26, s17, $0xb8;
	[tilespmem:$0xF700] =	vst v63  }
0x49: {  	p0 =	sne.s32 s25, $0x9800;
	_ =	swait.ge [sflag:s19], $0x1800  }
0x4a: {  	[sflag:s19] =	ssyncset.done $0x0  }
0x4b: {  	s25 =	sadd.s32 $0x2780, s24;
	[sflag:s19] =	ssyncadd.s32 $0xFFFFE800  }
0x4c: {  	[spmem:s2] =	stream.indirect.scatter.add.f32 [tilespmem:s16], [sflag:$0x4], $0x30, s25, s17, $0xb8;
	[tilespmem:$0xF700] =	vst v63  }
0x4d: {  	_ =	swait.ge [sflag:s20], $0x1800  }
0x4e: {  	[sflag:s20] =	ssyncset.done $0x0  }
0x4f: {  	s25 =	sadd.s32 $0x100, s24;
	[sflag:s20] =	ssyncadd.s32 $0xFFFFE800  }
0x50: {  	[tilespmem:s16], [sflag:$0x1] =	stream.indirect.gather [hbm4b:s4+s17], $0x30, s25, s17, $0xb8;
	[tilespmem:$0xF700] =	vst v63  }
0x51: {  	_ =	swait.ge [sflag:s21], $0x1800  }
.Ltmp1:
0x52: {  	[sflag:s21] =	ssyncset.done $0x0;
	(pc) =	sbr.rel @p0 .LBB2_4-.Ltmp1, $4  }
0x53: {  	s24 =	sadd.s32 $0x2800, s24;
	[sflag:s21] =	ssyncadd.s32 $0xFFFFE800  }
0x54: {  	[spmem:s2] =	stream.indirect.scatter.add.f32 [tilespmem:s18], [sflag:$0x3], $0x30, s24, s17, $0xb8;
	[tilespmem:$0xF700] =	vst v63  }
0x55: {  	_ =	swait.ge [sflag:s14], $0x1800  }
0x56: {  	s25 =	smov.u32 s29;
	s24 =	sshra.s32 s28, $0x2;
	[sflag:s14] =	ssyncset.done $0x0  }
0x57: {  	s25 =	sadd.s32 $0x80, s24;
	[sflag:s14] =	ssyncadd.s32 $0xFFFFE800  }
0x58: {  	[tilespmem:s18], [sflag:$0x2] =	stream.indirect.gather [hbm4b:s4+s17], $0x30, s25, s17, $0xb8;
	[tilespmem:$0xF700] =	vst v63  }
0x59: {  	_ =	swait.ge [sflag:s19], $0x1800  }
0x5a: {  	[sflag:s19] =	ssyncset.done $0x0  }
0x5b: {  	s26 =	sadd.s32 $0x2780, s24;
	[sflag:s19] =	ssyncadd.s32 $0xFFFFE800  }
0x5c: {  	[spmem:s2] =	stream.indirect.scatter.add.f32 [tilespmem:s16], [sflag:$0x4], $0x30, s26, s17, $0xb8;
	[tilespmem:$0xF700] =	vst v63  }
0x5d: {  	_ =	swait.ge [sflag:s20], $0x1800  }
0x5e: {  	[sflag:s20] =	ssyncset.done $0x0  }
0x5f: {  	s28 =	sadd.s32 $0x100, s24;
	[sflag:s20] =	ssyncadd.s32 $0xFFFFE800  }
0x60: {  	[tilespmem:s16], [sflag:$0x1] =	stream.indirect.gather [hbm4b:s4+s17], $0x30, s28, s17, $0xb8;
	[tilespmem:$0xF700] =	vst v63  }
0x61: {  	_ =	swait.ge [sflag:s21], $0x1800  }
0x62: {  	[sflag:s21] =	ssyncset.done $0x0  }
0x63: {  	s29 =	sadd.s32 $0x2800, s24;
	[sflag:s21] =	ssyncadd.s32 $0xFFFFE800  }
0x64: {  	[spmem:s2] =	stream.indirect.scatter.add.f32 [tilespmem:s18], [sflag:$0x3], $0x30, s29, s17, $0xb8;
	[tilespmem:$0xF700] =	vst v63  }
0x65: {  	_ =	swait.ge [sflag:s14], $0x1800  }
0x66: {  	[sflag:s14] =	ssyncset.done $0x0  }
0x67: {  	[sflag:s14] =	ssyncadd.s32 $0xFFFFE800  }
0x68: {  	_ =	swait.ge [sflag:s19], $0x1800  }
0x69: {  	[sflag:s19] =	ssyncset.done $0x0  }
0x6a: {  	[sflag:s19] =	ssyncadd.s32 $0xFFFFE800  }
0x6b: {  	[spmem:s2] =	stream.indirect.scatter.add.f32 [tilespmem:s16], [sflag:$0x4], $0x30, s22, s17, $0xb8;
	[tilespmem:$0xF700] =	vst v63  }
0x6c: {  	_ =	swait.ge [sflag:s20], $0x1800  }
0x6d: {  	s30 =	sshll.u32 s1, $0x6;
	s23 =	sadd.s32 $0x1, s23;
	[sflag:s20] =	ssyncset.done $0x0  }
0x6e: {  	s31 =	sshrl.u32 s7, $0x3;
	p0 =	sne.s32 s23, s13;
	[sflag:s20] =	ssyncadd.s32 $0xFFFFE800  }
.Ltmp2:
0x6f: {  	s24 =	sor.u32 $0x1C03, s30;
	[bflag:$0x0] =	sbarrier.arrive $0xFFFF;
	(pc) =	sbr.rel @p0 .LBB2_1-.Ltmp2, $4  }
0x70: {  	[hbm:s12], [sflag:s24] =	dma.local [spmem:s31], $0xF00  }
0x71: {  	_ =	swait.ge [sflag:s14], $0xF00  }
0x72: {  	[sflag:s14] =	ssyncset.done $0x0  }
0x73: {  	[sflag:s14] =	ssyncadd.s32 $0xFFFFF100  }
0x74: {  	_ =	sfence.sel $0x180000  }
0x75: {  	[bflag:$0x0] =	sbarrier.arrive $0xFFFF  }
0x76: {  	p0 =	sne.s32 s1, $0x0;
	_ =	strace $0x9000004D  }
0x77: {  	s0 =	sadd.s32 @!p0 $0x100000, s0;
	[bflag:$0x2] =	sbarrier.arrive $0xFFFF  }
0x78: {  	[sflag:s0] =	ssyncadd.tile.s32 @!p0 $0x1;
	_ =	shalt  }
.Lfunc_end2:
_tile_overlayer_lowered:
.L_overlay_start_2:
0x79: {  	(tag) =	ssettag $0x2  }
0x7a: {  	s0 =	rddreg [dreg:$0x0];
	s2 =	stileid.u32  }
0x7b: {  	s1 =	rddreg [dreg:$0x1];
	p0 =	sne.s32 s2, $0x0  }
0x7c: {  	s3 =	rddreg [dreg:$0x2];
	[bflag:$0x3] =	sbarrier.arrive $0xFFFF;
	s2 =	simm.s32 @!p0 $0x1C03  }
0x7d: {  	[timem:s3], [sflag:s2] =	dma.local @!p0 [hbm:s0], s1  }
0x7e: {  	s0 =	simm.s32 @!p0 $0x3  }
0x7f: {  	_ =	swait.ge @!p0 [sflag:s0], s1  }
0x80: {  	s1 =	ssub.s32 @!p0 $0x0, s1;
	[sflag:s0] =	ssyncset.done @!p0 $0x0  }
0x81: {  	[sflag:s0] =	ssyncadd.s32 @!p0 s1  }
0x82: {  	[bflag:$0x3] =	sbarrier.arrive $0xFFFF  }
0x83: {  	_ =	shalt  }

// kernel: kernel.9.cloned.1.call-start
scs
__scs_entry_jumppad:
0x0: {  	(pc) =	sbr.rel $0x88, $3  }
0x1: {  	(tag) =	ssettag $0x0;
	lr =	simm.s32 $0x1  }
0x2: {  	[smem:$0x3F9B] =	sst lr;
	_ =	strace $0xD0000000  }
0x3: {  	_ = 	snop  }
0x4: {  	_ = 	snop  }
0x5: {  	_ = 	snop  }
0x6: {  	_ = 	snop  }
0x7: {  	_ = 	snop  }
__scs_overlays_trampoline_lowered:
0x8: {  	[smem:$0x3FAA] =	sst s0  }
0x9: {  	[smem:$0x3FAB] =	sst s1  }
0xa: {  	[smem:$0x3FAC] =	sst s2  }
0xb: {  	[smem:$0x3FAD] =	sst s3  }
0xc: {  	[smem:$0x3FAE] =	sst s4  }
0xd: {  	[smem:$0x3FAF] =	sst s5  }
0xe: {  	[smem:$0x3FB0] =	sst s6  }
0xf: {  	[smem:$0x3FB1] =	sst s7  }
0x10: {  	[smem:$0x3FB2] =	sst s8  }
0x11: {  	[smem:$0x3FB3] =	sst s9;
	s0 =	simm.s32 @!p0 $0x0  }
0x12: {  	s1 =	sld [smem:$0x3F99];
	s0 =	simm.s32 @p0 $0x1  }
0x13: {  	[smem:$0x3FB4] =	sst s0;
	s0 =	simm.s32 @!p1 $0x0  }
0x14: {  	s2 =	sld [smem:$0x3F98];
	s0 =	simm.s32 @p1 $0x1  }
0x15: {  	[smem:$0x3FB5] =	sst s0;
	s0 =	simm.s32 @!p2 $0x0  }
0x16: {  	s3 =	sld [smem:$0x3FDB];
	s0 =	simm.s32 @p2 $0x1  }
0x17: {  	s4 =	simm.s32 $0x1BF5;
	[smem:$0x3FB7] =	sst s0  }
0x18: {  	s0 =	sld [smem:$0x3F9A];
	_ =	swait.ge [sflag:s4], $0x0  }
0x19: {  	s7 =	sld [smem:$0x3F9B]  }
0x1a: {  	s8 =	sadd.s32 $0xFFFFE003, lr  }
0x1b: {  	s9 =	sadd.s32 $0xFFFFFEF7, lr;
	s5 =	simm.s32 $0xFFFFFFFF;
	p2 =	slt.u32 s8, $0xFFFFF086  }
0x1c: {  	p1 =	slt.u32 s9, $0xF7A;
	s5 =	simm.s32 @!p2 $0x0  }
0x1d: {  	s5 =	simm.s32 @p1 $0x1;
	p0 =	seq.s32 s7, s2  }
0x1e: {  	s7 =	smul.u32 @!p0 $0xF7A, s2;
	p2 =	seq.s32 @!p0 s5, $0x0  }
0x1f: {  	s9 =	smul.u32 $0xF7A, s1;
	s8 =	simm.s32 @!p0 $0x1BF5;
	p2 =	por !p2, p0  }
0x20: {  	[sflag:s8] =	ssyncset.s32 @!p0 $0xFFFFF086;
	s6 =	sadd.s32 @!p0 s3, s7;
	s7 =	simm.s32 @!p0 $0x108  }
0x21: {  	s3 =	sadd.s32 s3, s9;
	s6 =	sadd.s32 @!p0 $0x88, s6;
	s7 =	simm.s32 @p2 $0x1082  }
0x22: {  	[simem:s7], [sflag:s8] =	dma.local @!p0 [hbm:s6], $0xF7A  }
0x23: {  	s9 =	sor.u32 $0xD0000000, s2;
	s6 =	simm.s32 $0x108;
	_ =	swait.ge @!p0 [sflag:s8], $0x0  }
0x24: {  	s3 =	sadd.s32 $0x88, s3;
	s6 =	simm.s32 @!p1 $0x1082;
	[sflag:s4] =	ssyncset.s32 $0xFFFFF086  }
0x25: {  	[simem:s6], [sflag:s4] =	dma.local [hbm:s3], $0xF7A  }
0x26: {  	[smem:$0x3F9B] =	sst s1;
	(tag) =	ssettag s2;
	_ =	strace s9  }
0x27: {  	s1 =	sld [smem:$0x3FAB]  }
0x28: {  	s2 =	sld [smem:$0x3FAC]  }
0x29: {  	s4 =	sld [smem:$0x3FAE]  }
0x2a: {  	p0 =	seq.s32 s5, $0x0;
	s5 =	sld [smem:$0x3FAF]  }
0x2b: {  	s6 =	sld [smem:$0x3FB0]  }
0x2c: {  	s7 =	sld [smem:$0x3FB1]  }
0x2d: {  	s3 =	simm.s32 $0x108;
	s8 =	sld [smem:$0x3FB2]  }
0x2e: {  	s3 =	simm.s32 @!p0 $0x1082;
	s9 =	sld [smem:$0x3FB3]  }
0x2f: {  	lr =	sadd.s32 s0, s3;
	s0 =	sld [smem:$0x3FAA]  }
0x30: {  	s3 =	sld [smem:$0x3FAD]  }
0x31: {  	[smem:$0x3FB6] =	sst s10  }
0x32: {  	s10 =	sld [smem:$0x3FB4];
	_ =	sdelay $0x3  }
0x33: {  	p0 =	seq.s32 s10, $0x1;
	s10 =	sld [smem:$0x3FB6];
	_ =	sdelay $0x3  }
0x34: {  	[smem:$0x3FB6] =	sst s10  }
0x35: {  	s10 =	sld [smem:$0x3FB5];
	_ =	sdelay $0x3  }
0x36: {  	p1 =	seq.s32 s10, $0x1;
	s10 =	sld [smem:$0x3FB6];
	_ =	sdelay $0x3  }
0x37: {  	[smem:$0x3FB6] =	sst s10  }
0x38: {  	s10 =	sld [smem:$0x3FB7]  }
0x39: {  	_ = 	snop;
	(pc) =	sbr.ind lr, $3  }
0x3a: {  	_ = 	snop  }
0x3b: {  	_ = 	snop  }
0x3c: {  	p2 =	seq.s32 s10, $0x1;
	s10 =	sld [smem:$0x3FB6]  }
0x3d: {  	_ =	shalt  }
0x3e: {  	_ =	shalt  }
0x3f: {  	_ =	shalt  }
0x40: {  	_ =	shalt  }
0x41: {  	_ =	shalt  }
0x42: {  	_ =	shalt  }
0x43: {  	_ =	shalt  }
0x44: {  	_ =	shalt  }
0x45: {  	_ =	shalt  }
0x46: {  	_ =	shalt  }
0x47: {  	_ =	shalt  }
0x48: {  	_ =	shalt  }
0x49: {  	_ =	shalt  }
0x4a: {  	_ =	shalt  }
0x4b: {  	_ =	shalt  }
0x4c: {  	_ =	shalt  }
0x4d: {  	_ =	shalt  }
0x4e: {  	_ =	shalt  }
0x4f: {  	_ =	shalt  }
0x50: {  	_ =	shalt  }
0x51: {  	_ =	shalt  }
0x52: {  	_ =	shalt  }
0x53: {  	_ =	shalt  }
0x54: {  	_ =	shalt  }
0x55: {  	_ =	shalt  }
0x56: {  	_ =	shalt  }
0x57: {  	_ =	shalt  }
0x58: {  	_ =	shalt  }
0x59: {  	_ =	shalt  }
0x5a: {  	_ =	shalt  }
0x5b: {  	_ =	shalt  }
0x5c: {  	_ =	shalt  }
0x5d: {  	_ =	shalt  }
0x5e: {  	_ =	shalt  }
0x5f: {  	_ =	shalt  }
0x60: {  	_ =	shalt  }
0x61: {  	_ =	shalt  }
0x62: {  	_ =	shalt  }
0x63: {  	_ =	shalt  }
0x64: {  	_ =	shalt  }
0x65: {  	_ =	shalt  }
0x66: {  	_ =	shalt  }
0x67: {  	_ =	shalt  }
0x68: {  	_ =	shalt  }
0x69: {  	_ =	shalt  }
0x6a: {  	_ =	shalt  }
0x6b: {  	_ =	shalt  }
0x6c: {  	_ =	shalt  }
0x6d: {  	_ =	shalt  }
0x6e: {  	_ =	shalt  }
0x6f: {  	_ =	shalt  }
0x70: {  	_ =	shalt  }
0x71: {  	_ =	shalt  }
0x72: {  	_ =	shalt  }
0x73: {  	_ =	shalt  }
0x74: {  	_ =	shalt  }
0x75: {  	_ =	shalt  }
0x76: {  	_ =	shalt  }
0x77: {  	_ =	shalt  }
0x78: {  	_ =	shalt  }
0x79: {  	_ =	shalt  }
0x7a: {  	_ =	shalt  }
0x7b: {  	_ =	shalt  }
0x7c: {  	_ =	shalt  }
0x7d: {  	_ =	shalt  }
0x7e: {  	_ =	shalt  }
0x7f: {  	_ =	shalt  }
0x80: {  	_ =	shalt  }
0x81: {  	_ =	shalt  }
0x82: {  	_ =	shalt  }
0x83: {  	_ =	shalt  }
0x84: {  	_ =	shalt  }
0x85: {  	_ =	shalt  }
0x86: {  	_ =	shalt  }
0x87: {  	_ =	shalt  }
.Lfunc_end0:
.L_simem_size_0:
called_computation_lowered:
.L_overlay_start_0:
0x88: {  	s2 =	sld [smem:$0x3FD9]  }
0x89: {  	s3 =	sld [smem:$0x3FFE];
	_ =	sdelay $0x1  }
0x8a: {  	s1 =	srdreg.scid  }
0x8b: {  	s0 =	sand.u32 $0x1, s1  }
0x8c: {  	s17 =	sshll.u32 s0, $0xA;
	s2 =	sadd.s32 s3, s2  }
0x8d: {  	s2 =	sadd.s32 s2, s17  }
0x8e: {  	[smem:$0x3FC2] =	sst s2  }
0x8f: {  	_ = 	snop  }
0x90: {  	s2 =	sld [smem:$0x3FD0];
	(tm) =	ssettm $0x1  }
0x91: {  	s18 =	sld [smem:$0x3FFB];
	_ =	sdelay $0x3  }
0x92: {  	_ =	strace s18  }
0x93: {  	s3 =	sld [smem:$0x3FFC];
	_ =	sdelay $0x3  }
0x94: {  	_ =	strace s3  }
0x95: {  	s3 =	sld [smem:$0x3FFD];
	_ =	sdelay $0x3  }
0x96: {  	_ =	strace s3  }
0x97: {  	_ =	strace $0x8FFFFFFF  }
0x98: {  	s19 =	sld [smem:$0x3FDB];
	_ =	sdelay $0x1  }
0x99: {  	s4 =	simm.s32 $_scs_section_size  }
0x9a: {  	s5 =	simm.s32 $_size__tile_overlayer_lowered;
	s6 =	simm.s32 $_tile_overlayer_lowered  }
0x9b: {  	s22 =	simm.s32 $0x1BFF;
	s21 =	sshll.u32 s6, $0x1;
	s3 =	sadd.s32 s4, s19  }
0x9c: {  	s7 =	simm.s32 $0x0;
	s20 =	sshll.u32 s5, $0x1;
	s5 =	sadd.s32 s21, s3  }
0x9d: {  	[timem:s7], [sflag:s22] =	dma.local [hbm:s5], s20  }
0x9e: {  	_ =	swait.ge [sflag:s22], s20  }
0x9f: {  	s4 =	ssub.s32 $0x0, s20;
	[sflag:s22] =	ssyncset.done $0x0  }
0xa0: {  	[sflag:s22] =	ssyncadd.s32 s4;
	_ =	sdelay $0x1  }
0xa1: {  	s23 =	simm.s32 $0x1B8B  }
0xa2: {  	_ =	swait.ge [sflag:s23], $0x1  }
0xa3: {  	[sflag:s23] =	ssyncset.done $0x0  }
0xa4: {  	s25 =	simm.s32 $0x1B8E;
	s24 =	sld [smem:$0x3FFE];
	[sflag:s23] =	ssyncadd.s32 $0xFFFFFFFF  }
0xa5: {  	s26 =	simm.s32 $execute0_lowered;
	[smem:$0x3FD2] =	sst s25  }
0xa6: {  	s5 =	sshll.u32 s26, $0x1;
	_ =	strace $0x80000046;
	[dreg:$0x1] =	wrdreg $0xFFFFFFFF  }
0xa7: {  	s28 =	simm.s32 $_size_execute0_lowered;
	s3 =	sadd.s32 s3, s5;
	[dreg:$0x0] =	wrdreg $0x0  }
0xa8: {  	s5 =	sshll.u32 s28, $0x1;
	[dreg:$0x2] =	wrdreg s3  }
0xa9: {  	[dreg:$0x3] =	wrdreg s5  }
0xaa: {  	[dreg:$0x4] =	wrdreg $0xC0  }
0xab: {  	_ =	task [dreg:s7], $0x5FFFF  }
0xac: {  	[dreg:$0x1] =	wrdreg $0xFFFFFFFF  }
0xad: {  	[dreg:$0x0] =	wrdreg $0x60  }
0xae: {  	[dreg:$0x2] =	wrdreg s2  }
0xaf: {  	[dreg:$0x3] =	wrdreg s24  }
0xb0: {  	[dreg:$0x4] =	wrdreg $0x9  }
0xb1: {  	_ =	task.clear_ibuf [dreg:s7], $0x5FFFF;
	_ =	strace $0x90000046  }
0xb2: {  	s29 =	simm.s32 $0x9;
	_ =	strace $0x80000048  }
0xb3: {  	_ =	swait.ge [sflag:s29], $0x1  }
0xb4: {  	[sflag:s29] =	ssyncadd.s32 $0xFFFFFFFF  }
0xb5: {  	_ =	strace $0x90000048  }
0xb6: {  	_ =	sfence  }
0xb7: {  	s30 =	sld [smem:$0x0];
	_ =	sdelay $0x2  }
0xb8: {  	s31 =	sshll.u32 s1, $0xD;
	s1 =	sshrl.u32 s1, $0x2  }
0xb9: {  	s3 =	sand.u32 $0x4000, s31;
	s1 =	sadd.s32 s1, s30  }
0xba: {  	s0 =	sor.u32 s3, s0;
	s1 =	sshll.u32 s1, $0x11  }
0xbb: {  	s0 =	sor.u32 s1, s0  }
0xbc: {  	s0 =	sadd.s32 $0x8F2B, s0  }
0xbd: {  	[sflag:s0] =	ssyncadd.remote.s32 $0x1  }
0xbe: {  	_ =	sfence.sel $0xFFFF  }
0xbf: {  	[dreg:$0x0] =	wrdreg $0xFFFFFFFF;
	(pc) =	sbr.abs _section_cstart, $3  }
0xc0: {  	[dreg:$0x1] =	wrdreg $0xFFFFFFFF  }
0xc1: {  	_ =	task.clear_ibuf [dreg:s7], $0x2FFFF;
	_ =	strace $0x9FFFFFFF  }
0xc2: {  	(tm) =	ssettm $0x7FFFFFFF  }
0xc3: {  	_ =	shalt  }
tec
execute0_lowered:
.L_overlay_start_1:
0x0: {  	(tag) =	ssettag $0x1  }
0x1: {  	s4 =	rddreg [dreg:$0x0]  }
0x2: {  	s0 =	srdreg.scid;
	s5 =	rddreg [dreg:$0x1]  }
0x3: {  	s2 =	simm.s32 $0x0;
	s10 =	simm.s32 $0x80;
	s3 =	sand.u32 $0x1, s0  }
0x4: {  	s11 =	simm.s32 $0x400;
	s0 =	stileid.u32;
	s1 =	sshll.u32 s3, $0x4  }
0x5: {  	s12 =	simm.s32 $0x0;
	[smem:$0x7FF] =	sst s2;
	s6 =	sor.u32 s0, s1  }
0x6: {  	s8 =	sshll.u32 s0, $0x7;
	s3 =	ssub.s32 $0x2, s3;
	s7 =	sshrl.u32 s6, $0x3  }
0x7: {  	s1 =	rddreg [dreg:$0x2];
	s8 =	sand.u32 $0x380, s8;
	s7 =	smul.u32 $0x27800, s7  }
0x8: {  	_ =	strace $0x80000047;
	s9 =	sshrl.u32 s3, $0x1;
	s6 =	smul.u32 $0x500, s6  }
0x9: {  	s31 =	ssub.s32 s3, s9;
	s9 =	simm.s32 $0x5000;
	s7 =	sor.u32 s8, s7  }
0xa: {  	s30 =	sadd.s32 s6, s5;
	s3 =	sadd.s32 s4, s6;
	s7 =	sshrl.u32 s7, $0x3  }
0xb: {  	s6 =	smax.u32 s31, $0x1;
	s4 =	sadd.s32 $0x1600, s30;
	s5 =	sadd.s32 s7, s5  }
0xc: {  	v0 =	vimm.f32 $0.0e+00;
	v1 =	vimm.f32 $1.000000000e+00;
	s8 =	simm.s32 $0x2800;
	s7 =	simm.s32 $0x1;
	s5 =	sadd.s32 $0xB600, s5  }
.LBB2_1:
0xd: {  	[tilespmem:s2], [sflag:$0x1] =	stream.linear.gather [hbm4b:s3+s2], $0x2780, $0x38;
	[tilespmem:$0x9F00] =	vst v63  }
0xe: {  	_ =	swait.ge [sflag:s7], $0x2780  }
0xf: {  	[sflag:s7] =	ssyncset.done $0x0  }
0x10: {  	[sflag:s7] =	ssyncadd.s32 $0xFFFFD880  }
0x11: {  	[tilespmem:s8], [sflag:$0x1] =	stream.linear.gather [hbm4b:s4+s2], $0x2780, $0x38;
	[tilespmem:$0x9F00] =	vst v63  }
0x12: {  	_ =	swait.ge [sflag:s7], $0x2780  }
0x13: {  	[sflag:s7] =	ssyncset.done $0x0  }
0x14: {  	s13 =	simm.s32 $0x0;
	[sflag:s7] =	ssyncadd.s32 $0xFFFFD880  }
.LBB2_2:
0x15: {  	p0 =	sne.s32 s13, $0x13BC0  }
.Ltmp0:
0x16: {  	_ = 	snop;
	(pc) =	sbr.rel @p0 .LBB2_2-.Ltmp0, $3  }
0x17: {  	_ =	sdelay $0x1  }
0x18: {  	s14 =	sshra.s32 s13, $0x2  }
0x19: {  	s13 =	sadd.s32 $0x40, s13;
	[tilespmem:s14+$0x5000] =	vst v0  }
0x1a: {  	s13 =	simm.s32 $0x0  }
.LBB2_4:
0x1b: {  	s14 =	sshra.s32 s13, $0x2  }
0x1c: {  	v2 =	vld [tilespmem:s14+$0x0];
	_ =	sdelay $0x7  }
0x1d: {  	[tilespmem:v2+s9+$0x0] =	vst.idx.add.f32.msk $0xffff, v1  }
0x1e: {  	v2 =	vld [tilespmem:s14+$0x2800];
	_ =	sdelay $0x4  }
0x1f: {  	p0 =	sne.s32 s13, $0x9C00;
	v2 =	vadd.s32 $0x2780, v2  }
.Ltmp1:
0x20: {  	_ = 	snop;
	(pc) =	sbr.rel @p0 .LBB2_4-.Ltmp1, $2  }
0x21: {  	_ =	sdelay $0x2  }
0x22: {  	s13 =	sadd.s32 $0x40, s13;
	[tilespmem:v2+s9+$0x0] =	vst.idx.add.f32.msk $0xffff, v1  }
0x23: {  	s12 =	sadd.s32 $0x1, s12  }
0x24: {  	p0 =	sne.s32 s12, s6  }
.Ltmp2:
0x25: {  	_ = 	snop;
	(pc) =	sbr.rel @p0 .LBB2_1-.Ltmp2, $4  }
0x26: {  	[hbm4b:s5+s10] =	stream.strided.scatter [tilespmem:s9], [sflag:$0x1], $0x4F00, s11, s10, $0x38;
	[tilespmem:$0x9F00] =	vst v63  }
0x27: {  	_ =	swait.ge [sflag:s7], $0x4F00  }
0x28: {  	[sflag:s7] =	ssyncset.done $0x0  }
0x29: {  	[sflag:s7] =	ssyncadd.s32 $0xFFFFB100  }
0x2a: {  	_ =	sfence.sel $0x180000  }
0x2b: {  	[bflag:$0x0] =	sbarrier.arrive $0xFFFF  }
0x2c: {  	p0 =	sne.s32 s0, $0x0;
	_ =	strace $0x90000047  }
0x2d: {  	s0 =	sadd.s32 @!p0 $0x100000, s1;
	[bflag:$0x2] =	sbarrier.arrive $0xFFFF  }
0x2e: {  	[sflag:s0] =	ssyncadd.tile.s32 @!p0 $0x1;
	_ =	shalt  }
.Lfunc_end2:
_tile_overlayer_lowered:
.L_overlay_start_2:
0x2f: {  	(tag) =	ssettag $0x2  }
0x30: {  	s0 =	rddreg [dreg:$0x0];
	s2 =	stileid.u32  }
0x31: {  	s1 =	rddreg [dreg:$0x1];
	p0 =	sne.s32 s2, $0x0  }
0x32: {  	s3 =	rddreg [dreg:$0x2];
	[bflag:$0x3] =	sbarrier.arrive $0xFFFF;
	s2 =	simm.s32 @!p0 $0x1C01  }
0x33: {  	[timem:s3], [sflag:s2] =	dma.local @!p0 [hbm:s0], s1  }
0x34: {  	s0 =	simm.s32 @!p0 $0x1  }
0x35: {  	_ =	swait.ge @!p0 [sflag:s0], s1  }
0x36: {  	s1 =	ssub.s32 @!p0 $0x0, s1;
	[sflag:s0] =	ssyncset.done @!p0 $0x0  }
0x37: {  	[sflag:s0] =	ssyncadd.s32 @!p0 s1  }
0x38: {  	[bflag:$0x3] =	sbarrier.arrive $0xFFFF  }
0x39: {  	_ =	shalt  }

</sc_bundles>
